<compile_context>
chip_gen: v7x
topology: tpu7x:2x2x1
jax: 0.10.2.dev20260603
libtpu: 0.0.44.dev20260713+nightly
codegen_flags: <defaults>
</compile_context>

<pallas_src>
import functools
import math

import jax
import jax.numpy as jnp
from jax import lax
from jax.experimental import pallas as pl
from jax.experimental.pallas import tpu as pltpu
from jax.experimental.pallas import tpu_sc as plsc

N = 20000
NUM_CLASSES = 91
IMG_H, IMG_W = 800.0, 800.0
SCORE_THRESH = 0.05
NMS_THRESH = 0.5
DETS_PER_IMG = 100
K_PRE = 1000
K_PAD = 1024
BBOX_XFORM_CLIP = math.log(1000.0 / 16.0)

ROWS_PER_BLOCK = 1000


def _score_mask_body(logits_ref, dx_ref, dy_ref, dw_ref, dh_ref, prop_ref,
                     out_ref, rowmax_ref):
    l = logits_ref[:]
    m = jnp.max(l, axis=1, keepdims=True)
    e = jnp.exp(l - m)
    s = jnp.sum(e, axis=1, keepdims=True)
    score = e / s

    p = prop_ref[:]
    w = p[:, 2:3] - p[:, 0:1]
    h = p[:, 3:4] - p[:, 1:2]
    cx = p[:, 0:1] + 0.5 * w
    cy = p[:, 1:2] + 0.5 * h

    dx = dx_ref[:] / 10.0
    dy = dy_ref[:] / 10.0
    dw = jnp.minimum(dw_ref[:] / 5.0, BBOX_XFORM_CLIP)
    dh = jnp.minimum(dh_ref[:] / 5.0, BBOX_XFORM_CLIP)

    pcx = dx * w + cx
    pcy = dy * h + cy
    pw = jnp.exp(dw) * w
    ph = jnp.exp(dh) * h

    x1 = jnp.clip(pcx - 0.5 * pw, 0.0, IMG_W)
    x2 = jnp.clip(pcx + 0.5 * pw, 0.0, IMG_W)
    y1 = jnp.clip(pcy - 0.5 * ph, 0.0, IMG_H)
    y2 = jnp.clip(pcy + 0.5 * ph, 0.0, IMG_H)

    cls = jax.lax.broadcasted_iota(jnp.int32, l.shape, 1)
    valid = (
        (score > SCORE_THRESH)
        & ((x2 - x1) >= 0.01)
        & ((y2 - y1) >= 0.01)
        & (cls >= 1)
    )
    masked = jnp.where(valid, score, -1.0)
    out_ref[:] = masked
    rowmax_ref[:] = jnp.max(masked, axis=1, keepdims=True)


def _masked_scores(class_logits, box_regression, proposals):
    dx = box_regression[:, 0::4]
    dy = box_regression[:, 1::4]
    dw = box_regression[:, 2::4]
    dh = box_regression[:, 3::4]
    grid = N // ROWS_PER_BLOCK
    spec_nc = pl.BlockSpec((ROWS_PER_BLOCK, NUM_CLASSES), lambda i: (i, 0))
    spec_p = pl.BlockSpec((ROWS_PER_BLOCK, 4), lambda i: (i, 0))
    return pl.pallas_call(
        _score_mask_body,
        grid=(grid,),
        in_specs=[spec_nc, spec_nc, spec_nc, spec_nc, spec_nc, spec_p],
        out_specs=[spec_nc, pl.BlockSpec((ROWS_PER_BLOCK, 1), lambda i: (i, 0))],
        out_shape=[
            jax.ShapeDtypeStruct((N, NUM_CLASSES), jnp.float32),
            jax.ShapeDtypeStruct((N, 1), jnp.float32),
        ],
    )(class_logits, dx, dy, dw, dh, proposals)


def _sc_gather(br_view, prop_view, idx_br, idx_pr):
    info = plsc.get_sparse_core_info()
    nw = info.num_cores * info.num_subcores
    bpw = K_PAD // nw
    mesh = plsc.VectorSubcoreMesh(core_axis_name="c", subcore_axis_name="s")

    @functools.partial(
        pl.kernel,
        mesh=mesh,
        out_type=[
            jax.ShapeDtypeStruct((K_PAD, 128), jnp.float32),
            jax.ShapeDtypeStruct((K_PAD, 128), jnp.float32),
        ],
        scratch_types=[
            pltpu.VMEM((bpw,), jnp.int32),
            pltpu.VMEM((bpw,), jnp.int32),
            pltpu.VMEM((bpw, 128), jnp.float32),
            pltpu.VMEM((bpw, 128), jnp.float32),
            pltpu.SemaphoreType.DMA,
            pltpu.SemaphoreType.DMA,
        ],
    )
    def gat(br_hbm, prop_hbm, ibr_hbm, ipr_hbm, out_br, out_prop,
            ibr_v, ipr_v, rows_v, prop_v, sem1, sem2):
        wid = lax.axis_index("s") * info.num_cores + lax.axis_index("c")
        base = wid * bpw
        pltpu.sync_copy(ibr_hbm.at[pl.ds(base, bpw)], ibr_v)
        pltpu.sync_copy(ipr_hbm.at[pl.ds(base, bpw)], ipr_v)
        cp1 = pltpu.async_copy(br_hbm.at[ibr_v], rows_v, sem1)
        cp2 = pltpu.async_copy(prop_hbm.at[ipr_v], prop_v, sem2)
        cp1.wait()
        cp2.wait()
        pltpu.sync_copy(rows_v, out_br.at[pl.ds(base, bpw)])
        pltpu.sync_copy(prop_v, out_prop.at[pl.ds(base, bpw)])

    return gat(br_view, prop_view, idx_br, idx_pr)


def _nms_body(sub_br_ref, sub_prop_ref, pos_ref, offpr_ref, cls_ref, scores_ref,
              final_ref, boxes_ref, sup_ref):
    def decode(dx, dy, dw, dh, px1, py1, px2, py2):
        w = px2 - px1
        h = py2 - py1
        cx = px1 + 0.5 * w
        cy = py1 + 0.5 * h
        dx = dx / 10.0
        dy = dy / 10.0
        dw = jnp.minimum(dw / 5.0, BBOX_XFORM_CLIP)
        dh = jnp.minimum(dh / 5.0, BBOX_XFORM_CLIP)
        pcx = dx * w + cx
        pcy = dy * h + cy
        pw = jnp.exp(dw) * w
        ph = jnp.exp(dh) * h
        x1 = jnp.clip(pcx - 0.5 * pw, 0.0, IMG_W)
        x2 = jnp.clip(pcx + 0.5 * pw, 0.0, IMG_W)
        y1 = jnp.clip(pcy - 0.5 * ph, 0.0, IMG_H)
        y2 = jnp.clip(pcy + 0.5 * ph, 0.0, IMG_H)
        return x1, y1, x2, y2

    clsv = cls_ref[:]
    lane_m = jax.lax.broadcasted_iota(jnp.int32, (K_PAD, 128), 1)
    br_chunk = sub_br_ref[:]
    pr_chunk = sub_prop_ref[:]
    off_br = pos_ref[:]
    off_pr = offpr_ref[:]

    def pick(chunk, off, j):
        sel = jnp.where(lane_m == off + j, chunk, 0.0)
        return jnp.sum(sel, axis=1, keepdims=True)

    cand16 = jnp.concatenate(
        [pick(br_chunk, off_br, 0), pick(br_chunk, off_br, 1),
         pick(br_chunk, off_br, 2), pick(br_chunk, off_br, 3),
         pick(pr_chunk, off_pr, 0), pick(pr_chunk, off_pr, 1),
         pick(pr_chunk, off_pr, 2), pick(pr_chunk, off_pr, 3),
         clsv.astype(jnp.float32)] + [jnp.zeros((K_PAD, 1), jnp.float32)] * 7,
        axis=1)
    eye = jnp.where(
        jax.lax.broadcasted_iota(jnp.int32, (K_PAD, K_PAD), 0)
        == jax.lax.broadcasted_iota(jnp.int32, (K_PAD, K_PAD), 1), 1.0, 0.0)
    cand16_t = jax.lax.dot_general(
        cand16, eye, (((0,), (0,)), ((), ())),
        precision=jax.lax.Precision.HIGHEST,
        preferred_element_type=jnp.float32)

    pc = cand16
    cx1, cy1, cx2, cy2 = decode(
        pc[:, 0:1], pc[:, 1:2], pc[:, 2:3], pc[:, 3:4],
        pc[:, 4:5], pc[:, 5:6], pc[:, 6:7], pc[:, 7:8])
    pr = cand16_t
    rx1, ry1, rx2, ry2 = decode(
        pr[0:1, :], pr[1:2, :], pr[2:3, :], pr[3:4, :],
        pr[4:5, :], pr[5:6, :], pr[6:7, :], pr[7:8, :])

    boxes_ref[:, 0:1] = cx1
    boxes_ref[:, 1:2] = cy1
    boxes_ref[:, 2:3] = cx2
    boxes_ref[:, 3:4] = cy2

    off_scale = max(IMG_H, IMG_W) + 1.0
    offr = cand16_t[8:9, :] * off_scale
    offc = cand16[:, 8:9] * off_scale
    orx1, ory1, orx2, ory2 = rx1 + offr, ry1 + offr, rx2 + offr, ry2 + offr
    ocx1, ocy1, ocx2, ocy2 = cx1 + offc, cy1 + offc, cx2 + offc, cy2 + offc

    area_r = (orx2 - orx1) * (ory2 - ory1)
    area_c = (ocx2 - ocx1) * (ocy2 - ocy1)
    ltx = jnp.maximum(ocx1, orx1)
    lty = jnp.maximum(ocy1, ory1)
    rbx = jnp.minimum(ocx2, orx2)
    rby = jnp.minimum(ocy2, ory2)
    iw = jnp.clip(rbx - ltx, 0.0, None)
    ih = jnp.clip(rby - lty, 0.0, None)
    inter = iw * ih
    union = area_c + area_r - inter
    iou = inter / jnp.maximum(union, 1e-9)
    si = jax.lax.broadcasted_iota(jnp.int32, (K_PAD, K_PAD), 0)
    lj = jax.lax.broadcasted_iota(jnp.int32, (K_PAD, K_PAD), 1)
    sup_ref[:] = jnp.where((iou > NMS_THRESH) & (lj > si), 1.0, 0.0)

    scores = scores_ref[:]
    alive0 = jnp.where(scores > 0.0, 1.0, 0.0)

    def cond(c):
        return c[1]

    def body(c):
        alive, _ = c
        supn = jnp.dot(alive, sup_ref[:], preferred_element_type=jnp.float32)
        new = jnp.where(supn > 0.0, 0.0, alive0)
        return new, jnp.any(new != alive)

    alive, _ = jax.lax.while_loop(cond, body, (alive0, True))
    final_ref[:] = jnp.where(alive > 0.0, scores, -1.0)


def _nms(sub_br, sub_prop, offbr_col, offpr_col, cls_col, scores_row):
    return pl.pallas_call(
        _nms_body,
        in_specs=[
            pl.BlockSpec((K_PAD, 128), lambda: (0, 0)),
            pl.BlockSpec((K_PAD, 128), lambda: (0, 0)),
            pl.BlockSpec((K_PAD, 1), lambda: (0, 0)),
            pl.BlockSpec((K_PAD, 1), lambda: (0, 0)),
            pl.BlockSpec((K_PAD, 1), lambda: (0, 0)),
            pl.BlockSpec((1, K_PAD), lambda: (0, 0)),
        ],
        out_specs=[
            pl.BlockSpec((1, K_PAD), lambda: (0, 0)),
            pl.BlockSpec((K_PAD, 4), lambda: (0, 0)),
        ],
        out_shape=[
            jax.ShapeDtypeStruct((1, K_PAD), jnp.float32),
            jax.ShapeDtypeStruct((K_PAD, 4), jnp.float32),
        ],
        scratch_shapes=[pltpu.VMEM((K_PAD, K_PAD), jnp.float32)],
    )(sub_br, sub_prop, offbr_col, offpr_col, cls_col, scores_row)


def kernel(class_logits, box_regression, proposals):
    masked, rowmax = _masked_scores(class_logits, box_regression, proposals)

    _, rows_sel = jax.lax.top_k(rowmax[:, 0], K_PAD)
    rows_sorted = jnp.sort(rows_sel)
    sub = masked[rows_sorted]

    top_scores, top_sub_idx = jax.lax.top_k(sub.reshape(-1), K_PRE)
    pos = top_sub_idx // NUM_CLASSES
    cls = top_sub_idx % NUM_CLASSES
    row = rows_sorted[pos]

    pad = K_PAD - K_PRE
    flat_br = row * (NUM_CLASSES * 4) + cls * 4
    idx_br = jnp.pad(flat_br // 128, (0, pad))
    off_br = jnp.pad(flat_br % 128, (0, pad)).reshape(K_PAD, 1)
    flat_pr = row * 4
    idx_pr = jnp.pad(flat_pr // 128, (0, pad))
    off_pr = jnp.pad(flat_pr % 128, (0, pad)).reshape(K_PAD, 1)

    br_view = box_regression.reshape(-1, 128)
    prop_view = proposals.reshape(-1, 128)
    sub_br, sub_prop = _sc_gather(br_view, prop_view, idx_br, idx_pr)

    cls_col = jnp.pad(cls, (0, pad)).reshape(K_PAD, 1)
    scores_row = jnp.pad(top_scores, (0, pad), constant_values=-1.0).reshape(1, K_PAD)

    final, boxes = _nms(sub_br, sub_prop, off_br, off_pr, cls_col, scores_row)

    fsc, fidx = jax.lax.top_k(final[0], DETS_PER_IMG)
    ok = fsc > 0.0
    out_boxes = jnp.where(ok[:, None], boxes[fidx], 0.0)
    out_scores = jnp.where(ok, scores_row[0, fidx], 0.0)
    labels_pad = jnp.pad(cls, (0, pad))
    out_labels = jnp.where(ok, labels_pad[fidx], 0)
    return out_boxes, out_scores, out_labels

# --- scband reference (transcript-rebuilt; emitter-appended) ---
"""Pipeline reference for scband-ro-iheads-90314572300711 (READ-ONLY COPY).

The authoritative reference and input builder live on the scoring server;
editing this copy changes nothing except your own understanding.
"""

import jax, jax.numpy as jnp
import numpy as np
import math

N = 20000
NUM_CLASSES = 91
IMG_H, IMG_W = 800.0, 800.0
SCORE_THRESH = 0.05
NMS_THRESH = 0.5
DETS_PER_IMG = 100
K_PRE = 1000
BBOX_XFORM_CLIP = math.log(1000.0 / 16.0)
WEIGHTS = (10.0, 10.0, 5.0, 5.0)


def setup_inputs(seed: int = 0):
    key = jax.random.key(seed)
    k1, k2, k3, k4 = jax.random.split(key, 4)
    xy = jax.random.uniform(k1, (N, 2), dtype=jnp.float32) * 760.0
    wh = jax.random.uniform(k2, (N, 2), dtype=jnp.float32) * 120.0 + 8.0
    proposals = jnp.concatenate([xy, xy + wh], axis=1)
    class_logits = jax.random.normal(k3, (N, NUM_CLASSES), dtype=jnp.float32) * 2.0
    box_regression = jax.random.normal(k4, (N, NUM_CLASSES * 4), dtype=jnp.float32) * 0.1
    return {"class_logits": class_logits, "box_regression": box_regression, "proposals": proposals}


def _decode_boxes(rel_codes, boxes):
    # det_utils.BoxCoder.decode with weights (10, 10, 5, 5)
    wx, wy, ww, wh = WEIGHTS
    widths = boxes[:, 2] - boxes[:, 0]
    heights = boxes[:, 3] - boxes[:, 1]
    ctr_x = boxes[:, 0] + 0.5 * widths
    ctr_y = boxes[:, 1] + 0.5 * heights
    dx = rel_codes[:, 0::4] / wx
    dy = rel_codes[:, 1::4] / wy
    dw = rel_codes[:, 2::4] / ww
    dh = rel_codes[:, 3::4] / wh
    dw = jnp.minimum(dw, BBOX_XFORM_CLIP)
    dh = jnp.minimum(dh, BBOX_XFORM_CLIP)
    pred_ctr_x = dx * widths[:, None] + ctr_x[:, None]
    pred_ctr_y = dy * heights[:, None] + ctr_y[:, None]
    pred_w = jnp.exp(dw) * widths[:, None]
    pred_h = jnp.exp(dh) * heights[:, None]
    x1 = pred_ctr_x - 0.5 * pred_w
    y1 = pred_ctr_y - 0.5 * pred_h
    x2 = pred_ctr_x + 0.5 * pred_w
    y2 = pred_ctr_y + 0.5 * pred_h
    return jnp.stack([x1, y1, x2, y2], axis=-1)


def _pairwise_iou(b):
    area = (b[:, 2] - b[:, 0]) * (b[:, 3] - b[:, 1])
    lt = jnp.maximum(b[:, None, :2], b[None, :, :2])
    rb = jnp.minimum(b[:, None, 2:], b[None, :, 2:])
    wh = jnp.clip(rb - lt, 0.0, None)
    inter = wh[..., 0] * wh[..., 1]
    union = area[:, None] + area[None, :] - inter
    return inter / jnp.maximum(union, 1e-9)


def _postprocess(class_logits, box_regression, proposals):
    # RoIHeads.postprocess_detections (inference path), single image, JIT-friendly fixed sizes
    num_classes = class_logits.shape[-1]
    pred_boxes = _decode_boxes(box_regression, proposals)  # [N, C, 4]
    pred_scores = jax.nn.softmax(class_logits, axis=-1)
    # clip_boxes_to_image
    x1 = jnp.clip(pred_boxes[..., 0], 0.0, IMG_W)
    y1 = jnp.clip(pred_boxes[..., 1], 0.0, IMG_H)
    x2 = jnp.clip(pred_boxes[..., 2], 0.0, IMG_W)
    y2 = jnp.clip(pred_boxes[..., 3], 0.0, IMG_H)
    pred_boxes = jnp.stack([x1, y1, x2, y2], axis=-1)
    labels = jnp.broadcast_to(jnp.arange(num_classes)[None, :], pred_scores.shape)
    # drop background class 0, flatten per-class detections
    boxes = pred_boxes[:, 1:, :].reshape(-1, 4)
    scores = pred_scores[:, 1:].reshape(-1)
    labels = labels[:, 1:].reshape(-1)
    # score threshold + remove_small_boxes(min_size=0.01), as a mask (fixed-size)
    ws = boxes[:, 2] - boxes[:, 0]
    hs = boxes[:, 3] - boxes[:, 1]
    valid = (scores > SCORE_THRESH) & (ws >= 0.01) & (hs >= 0.01)
    masked = jnp.where(valid, scores, -1.0)
    # pre-NMS candidate selection (fixed K for jit)
    top_scores, top_idx = jax.lax.top_k(masked, K_PRE)
    cand_boxes = boxes[top_idx]
    cand_labels = labels[top_idx]
    # batched_nms via per-class coordinate offsets
    offsets = cand_labels.astype(jnp.float32) * (jnp.maximum(IMG_H, IMG_W) + 1.0)
    off_boxes = cand_boxes + offsets[:, None]
    iou = jax.lax.stop_gradient(_pairwise_iou(off_boxes))
    valid_cand = jax.lax.stop_gradient(top_scores) > 0.0
    idxs = jnp.arange(K_PRE)

    def body(i, keep):
        active = keep[i] & valid_cand[i]
        sup = (iou[i] > NMS_THRESH) & (idxs > i)
        return jnp.where(active, keep & (~sup), keep)

    keep = jax.lax.fori_loop(0, K_PRE, body, valid_cand)
    final = jnp.where(keep, jax.lax.stop_gradient(top_scores), -1.0)
    fsc, fidx = jax.lax.top_k(final, DETS_PER_IMG)
    ok = fsc > 0.0
    out_boxes = jnp.where(ok[:, None], cand_boxes[fidx], 0.0)
    out_scores = jnp.where(ok, top_scores[fidx], 0.0)
    out_labels = jnp.where(ok, cand_labels[fidx], 0)
    return out_boxes, out_scores, out_labels


def reference(class_logits, box_regression, proposals):
    return _postprocess(class_logits, box_regression, proposals)

if __name__ == "__main__":
    import jax
    _d = setup_inputs()
    print(jax.jit(kernel)(*tuple(_d.values())))

</pallas_src>

<mosaic_0001>
#map = affine_map<(d0, d1) -> (0, 0)>
#map1 = affine_map<(d0, d1) -> (0)>
module attributes {stable_mosaic.version = 14 : i64} {
  func.func @gat(%arg0: i32, %arg1: i32, %arg2: memref<56875x128xf32, #tpu.memory_space<hbm>>, %arg3: memref<625x128xf32, #tpu.memory_space<hbm>>, %arg4: memref<1024xi32, #tpu.memory_space<hbm>>, %arg5: memref<1024xi32, #tpu.memory_space<hbm>>, %arg6: memref<1024x128xf32, #tpu.memory_space<hbm>>, %arg7: memref<1024x128xf32, #tpu.memory_space<hbm>>, %arg8: memref<32xi32, #tpu.memory_space<vmem>>, %arg9: memref<32xi32, #tpu.memory_space<vmem>>, %arg10: memref<32x128xf32, #tpu.memory_space<vmem>>, %arg11: memref<32x128xf32, #tpu.memory_space<vmem>>, %arg12: memref<!tpu.dma_semaphore, #tpu.memory_space<semaphore_mem>>, %arg13: memref<!tpu.dma_semaphore, #tpu.memory_space<semaphore_mem>>) attributes {dimension_semantics = [#tpu.dimension_semantics<core_parallel>, #tpu.dimension_semantics<subcore_parallel>], iteration_bounds = array<i64: 2, 16>, scalar_prefetch = 0 : i64, scratch_operands = 6 : i64, tpu.core_type = #tpu.core_type<sc_vector_subcore>, window_params = [{transform_indices = #map}, {transform_indices = #map}, {transform_indices = #map1}, {transform_indices = #map1}, {transform_indices = #map}, {transform_indices = #map}]} {
    %mul3A = arith.constant 2 : i32
    %mul3A_0 = arith.muli %arg1, %mul3A : i32
    %add3A = arith.addi %mul3A_0, %arg0 : i32
    %mul3A_1 = arith.constant 32 : i32
    %mul3A_2 = arith.muli %add3A, %mul3A_1 : i32
    "tpu.region"() ({
      %run_scoped3A = tpu.sem_alloc : memref<!tpu.dma_semaphore, #tpu.memory_space<semaphore_mem>>
      %dma_start3A_13 = tpu.memref_slice %arg4[%mul3A_2] : memref<1024xi32, #tpu.memory_space<hbm>> -> memref<32xi32, #tpu.memory_space<hbm>>
      %dma_start3A_14 = tpu.memref_slice %arg4[%mul3A_2] : memref<1024xi32, #tpu.memory_space<hbm>> -> memref<32xi32, #tpu.memory_space<hbm>>
      tpu.enqueue_dma source(%dma_start3A_14 : memref<32xi32, #tpu.memory_space<hbm>>) target(%arg8 : memref<32xi32, #tpu.memory_space<vmem>>) target_semaphore(%run_scoped3A : memref<!tpu.dma_semaphore, #tpu.memory_space<semaphore_mem>>)
      %dma_wait3A_15 = tpu.memref_slice %arg4[%mul3A_2] : memref<1024xi32, #tpu.memory_space<hbm>> -> memref<32xi32, #tpu.memory_space<hbm>>
      %dma_wait3A_16 = tpu.memref_slice %arg4[%mul3A_2] : memref<1024xi32, #tpu.memory_space<hbm>> -> memref<32xi32, #tpu.memory_space<hbm>>
      tpu.wait_dma2 semaphore(%run_scoped3A : memref<!tpu.dma_semaphore, #tpu.memory_space<semaphore_mem>>) src(%dma_wait3A_16 : memref<32xi32, #tpu.memory_space<hbm>>) dst(%arg8 : memref<32xi32, #tpu.memory_space<vmem>>)
      tpu.yield
    }) : () -> ()
    "tpu.region"() ({
      %run_scoped3A = tpu.sem_alloc : memref<!tpu.dma_semaphore, #tpu.memory_space<semaphore_mem>>
      %dma_start3A_13 = tpu.memref_slice %arg5[%mul3A_2] : memref<1024xi32, #tpu.memory_space<hbm>> -> memref<32xi32, #tpu.memory_space<hbm>>
      %dma_start3A_14 = tpu.memref_slice %arg5[%mul3A_2] : memref<1024xi32, #tpu.memory_space<hbm>> -> memref<32xi32, #tpu.memory_space<hbm>>
      tpu.enqueue_dma source(%dma_start3A_14 : memref<32xi32, #tpu.memory_space<hbm>>) target(%arg9 : memref<32xi32, #tpu.memory_space<vmem>>) target_semaphore(%run_scoped3A : memref<!tpu.dma_semaphore, #tpu.memory_space<semaphore_mem>>)
      %dma_wait3A_15 = tpu.memref_slice %arg5[%mul3A_2] : memref<1024xi32, #tpu.memory_space<hbm>> -> memref<32xi32, #tpu.memory_space<hbm>>
      %dma_wait3A_16 = tpu.memref_slice %arg5[%mul3A_2] : memref<1024xi32, #tpu.memory_space<hbm>> -> memref<32xi32, #tpu.memory_space<hbm>>
      tpu.wait_dma2 semaphore(%run_scoped3A : memref<!tpu.dma_semaphore, #tpu.memory_space<semaphore_mem>>) src(%dma_wait3A_16 : memref<32xi32, #tpu.memory_space<hbm>>) dst(%arg9 : memref<32xi32, #tpu.memory_space<vmem>>)
      tpu.yield
    }) : () -> ()
    %dma_start3A = arith.constant 0 : i32
    %dma_start3A_3 = arith.constant 0 : i32
    %dma_start3A_4 = tpu.memref_slice %arg2[%dma_start3A, %dma_start3A_3] : memref<56875x128xf32, #tpu.memory_space<hbm>> -> memref<56875x128xf32, #tpu.memory_space<hbm>>
    tpu.enqueue_indirect_dma source(%dma_start3A_4 : memref<56875x128xf32, #tpu.memory_space<hbm>>) target(%arg10 : memref<32x128xf32, #tpu.memory_space<vmem>>) offsets(%arg8 : memref<32xi32, #tpu.memory_space<vmem>>) semaphore(%arg12 : memref<!tpu.dma_semaphore, #tpu.memory_space<semaphore_mem>>)
    %dma_start3A_5 = arith.constant 0 : i32
    %dma_start3A_6 = arith.constant 0 : i32
    %dma_start3A_7 = tpu.memref_slice %arg3[%dma_start3A_5, %dma_start3A_6] : memref<625x128xf32, #tpu.memory_space<hbm>> -> memref<625x128xf32, #tpu.memory_space<hbm>>
    tpu.enqueue_indirect_dma source(%dma_start3A_7 : memref<625x128xf32, #tpu.memory_space<hbm>>) target(%arg11 : memref<32x128xf32, #tpu.memory_space<vmem>>) offsets(%arg9 : memref<32xi32, #tpu.memory_space<vmem>>) semaphore(%arg13 : memref<!tpu.dma_semaphore, #tpu.memory_space<semaphore_mem>>)
    %dma_wait3A = arith.constant 0 : i32
    %dma_wait3A_8 = arith.constant 0 : i32
    %dma_wait3A_9 = tpu.memref_slice %arg2[%dma_wait3A, %dma_wait3A_8] : memref<56875x128xf32, #tpu.memory_space<hbm>> -> memref<56875x128xf32, #tpu.memory_space<hbm>>
    tpu.wait_indirect_dma semaphore(%arg12 : memref<!tpu.dma_semaphore, #tpu.memory_space<semaphore_mem>>) src(%dma_wait3A_9 : memref<56875x128xf32, #tpu.memory_space<hbm>>) dst(%arg10 : memref<32x128xf32, #tpu.memory_space<vmem>>)
    %dma_wait3A_10 = arith.constant 0 : i32
    %dma_wait3A_11 = arith.constant 0 : i32
    %dma_wait3A_12 = tpu.memref_slice %arg3[%dma_wait3A_10, %dma_wait3A_11] : memref<625x128xf32, #tpu.memory_space<hbm>> -> memref<625x128xf32, #tpu.memory_space<hbm>>
    tpu.wait_indirect_dma semaphore(%arg13 : memref<!tpu.dma_semaphore, #tpu.memory_space<semaphore_mem>>) src(%dma_wait3A_12 : memref<625x128xf32, #tpu.memory_space<hbm>>) dst(%arg11 : memref<32x128xf32, #tpu.memory_space<vmem>>)
    "tpu.region"() ({
      %run_scoped3A = tpu.sem_alloc : memref<!tpu.dma_semaphore, #tpu.memory_space<semaphore_mem>>
      %dma_start3A_13 = arith.constant 0 : i32
      %dma_start3A_14 = tpu.memref_slice %arg6[%mul3A_2, %dma_start3A_13] : memref<1024x128xf32, #tpu.memory_space<hbm>> -> memref<32x128xf32, #tpu.memory_space<hbm>>
      %dma_start3A_15 = arith.constant 0 : i32
      %dma_start3A_16 = tpu.memref_slice %arg6[%mul3A_2, %dma_start3A_15] : memref<1024x128xf32, #tpu.memory_space<hbm>> -> memref<32x128xf32, #tpu.memory_space<hbm>>
      tpu.enqueue_dma source(%arg10 : memref<32x128xf32, #tpu.memory_space<vmem>>) target(%dma_start3A_16 : memref<32x128xf32, #tpu.memory_space<hbm>>) target_semaphore(%run_scoped3A : memref<!tpu.dma_semaphore, #tpu.memory_space<semaphore_mem>>)
      %dma_wait3A_17 = arith.constant 0 : i32
      %dma_wait3A_18 = tpu.memref_slice %arg6[%mul3A_2, %dma_wait3A_17] : memref<1024x128xf32, #tpu.memory_space<hbm>> -> memref<32x128xf32, #tpu.memory_space<hbm>>
      %dma_wait3A_19 = arith.constant 0 : i32
      %dma_wait3A_20 = tpu.memref_slice %arg6[%mul3A_2, %dma_wait3A_19] : memref<1024x128xf32, #tpu.memory_space<hbm>> -> memref<32x128xf32, #tpu.memory_space<hbm>>
      tpu.wait_dma2 semaphore(%run_scoped3A : memref<!tpu.dma_semaphore, #tpu.memory_space<semaphore_mem>>) src(%arg10 : memref<32x128xf32, #tpu.memory_space<vmem>>) dst(%dma_wait3A_20 : memref<32x128xf32, #tpu.memory_space<hbm>>)
      tpu.yield
    }) : () -> ()
    "tpu.region"() ({
      %run_scoped3A = tpu.sem_alloc : memref<!tpu.dma_semaphore, #tpu.memory_space<semaphore_mem>>
      %dma_start3A_13 = arith.constant 0 : i32
      %dma_start3A_14 = tpu.memref_slice %arg7[%mul3A_2, %dma_start3A_13] : memref<1024x128xf32, #tpu.memory_space<hbm>> -> memref<32x128xf32, #tpu.memory_space<hbm>>
      %dma_start3A_15 = arith.constant 0 : i32
      %dma_start3A_16 = tpu.memref_slice %arg7[%mul3A_2, %dma_start3A_15] : memref<1024x128xf32, #tpu.memory_space<hbm>> -> memref<32x128xf32, #tpu.memory_space<hbm>>
      tpu.enqueue_dma source(%arg11 : memref<32x128xf32, #tpu.memory_space<vmem>>) target(%dma_start3A_16 : memref<32x128xf32, #tpu.memory_space<hbm>>) target_semaphore(%run_scoped3A : memref<!tpu.dma_semaphore, #tpu.memory_space<semaphore_mem>>)
      %dma_wait3A_17 = arith.constant 0 : i32
      %dma_wait3A_18 = tpu.memref_slice %arg7[%mul3A_2, %dma_wait3A_17] : memref<1024x128xf32, #tpu.memory_space<hbm>> -> memref<32x128xf32, #tpu.memory_space<hbm>>
      %dma_wait3A_19 = arith.constant 0 : i32
      %dma_wait3A_20 = tpu.memref_slice %arg7[%mul3A_2, %dma_wait3A_19] : memref<1024x128xf32, #tpu.memory_space<hbm>> -> memref<32x128xf32, #tpu.memory_space<hbm>>
      tpu.wait_dma2 semaphore(%run_scoped3A : memref<!tpu.dma_semaphore, #tpu.memory_space<semaphore_mem>>) src(%arg11 : memref<32x128xf32, #tpu.memory_space<vmem>>) dst(%dma_wait3A_20 : memref<32x128xf32, #tpu.memory_space<hbm>>)
      tpu.yield
    }) : () -> ()
    return
  }
}

module attributes {stable_mosaic.version = 14 : i64} {
  func.func @_score_mask_body(%arg0: i32, %arg1: memref<1000x91xf32, #tpu.memory_space<vmem>>, %arg2: memref<1000x91xf32, #tpu.memory_space<vmem>>, %arg3: memref<1000x91xf32, #tpu.memory_space<vmem>>, %arg4: memref<1000x91xf32, #tpu.memory_space<vmem>>, %arg5: memref<1000x91xf32, #tpu.memory_space<vmem>>, %arg6: memref<1000x4xf32, #tpu.memory_space<vmem>>, %arg7: memref<1000x91xf32, #tpu.memory_space<vmem>>, %arg8: memref<1000x1xf32, #tpu.memory_space<vmem>>) attributes {dimension_semantics = [#tpu.dimension_semantics<arbitrary>], iteration_bounds = array<i64: 20>, scalar_prefetch = 0 : i64, scratch_operands = 0 : i64, tpu.core_type = #tpu.core_type<tc>, window_params = [{transform_indices = @transform_0, window_bounds = array<i64: 1000, 91>}, {transform_indices = @transform_1, window_bounds = array<i64: 1000, 91>}, {transform_indices = @transform_2, window_bounds = array<i64: 1000, 91>}, {transform_indices = @transform_3, window_bounds = array<i64: 1000, 91>}, {transform_indices = @transform_4, window_bounds = array<i64: 1000, 91>}, {transform_indices = @transform_5, window_bounds = array<i64: 1000, 4>}, {transform_indices = @transform_6, window_bounds = array<i64: 1000, 91>}, {transform_indices = @transform_7, window_bounds = array<i64: 1000, 1>}]} {
    %get3A = arith.constant 0 : index
    %get3A_0 = arith.constant 0 : index
    %get3A_1 = vector.load %arg1[%get3A, %get3A_0] : memref<1000x91xf32, #tpu.memory_space<vmem>>, vector<1000x91xf32>
    %reduce_max3A = arith.constant dense<0xFF800000> : vector<1000xf32>
    %reduce_max3A_2 = vector.multi_reduction <maximumf>, %get3A_1, %reduce_max3A [1] : vector<1000x91xf32> to vector<1000xf32>
    %broadcast_in_dim3A = vector.shape_cast %reduce_max3A_2 : vector<1000xf32> to vector<1000x1xf32>
    %sub3A = vector.broadcast %broadcast_in_dim3A : vector<1000x1xf32> to vector<1000x91xf32>
    %sub3A_3 = arith.subf %get3A_1, %sub3A : vector<1000x91xf32>
    %exp3A = math.exp %sub3A_3 : vector<1000x91xf32>
    %reduce_sum3A = arith.constant dense<0.000000e+00> : vector<1000xf32>
    %reduce_sum3A_4 = vector.multi_reduction <add>, %exp3A, %reduce_sum3A [1] : vector<1000x91xf32> to vector<1000xf32>
    %broadcast_in_dim3A_5 = vector.shape_cast %reduce_sum3A_4 : vector<1000xf32> to vector<1000x1xf32>
    %div3A = vector.broadcast %broadcast_in_dim3A_5 : vector<1000x1xf32> to vector<1000x91xf32>
    %div3A_6 = arith.divf %exp3A, %div3A : vector<1000x91xf32>
    %get3A_7 = arith.constant 0 : index
    %get3A_8 = arith.constant 0 : index
    %get3A_9 = vector.load %arg6[%get3A_7, %get3A_8] : memref<1000x4xf32, #tpu.memory_space<vmem>>, vector<1000x4xf32>
    %slice3A = vector.extract_strided_slice %get3A_9 {offsets = [0, 2], sizes = [1000, 1], strides = [1, 1]} : vector<1000x4xf32> to vector<1000x1xf32>
    %slice3A_10 = vector.extract_strided_slice %get3A_9 {offsets = [0, 0], sizes = [1000, 1], strides = [1, 1]} : vector<1000x4xf32> to vector<1000x1xf32>
    %sub3A_11 = arith.subf %slice3A, %slice3A_10 : vector<1000x1xf32>
    %slice3A_12 = vector.extract_strided_slice %get3A_9 {offsets = [0, 3], sizes = [1000, 1], strides = [1, 1]} : vector<1000x4xf32> to vector<1000x1xf32>
    %slice3A_13 = vector.extract_strided_slice %get3A_9 {offsets = [0, 1], sizes = [1000, 1], strides = [1, 1]} : vector<1000x4xf32> to vector<1000x1xf32>
    %sub3A_14 = arith.subf %slice3A_12, %slice3A_13 : vector<1000x1xf32>
    %slice3A_15 = vector.extract_strided_slice %get3A_9 {offsets = [0, 0], sizes = [1000, 1], strides = [1, 1]} : vector<1000x4xf32> to vector<1000x1xf32>
    %mul3A = arith.constant 5.000000e-01 : f32
    %mul3A_16 = vector.broadcast %mul3A : f32 to vector<1000x1xf32>
    %mul3A_17 = arith.mulf %mul3A_16, %sub3A_11 : vector<1000x1xf32>
    %add3A = arith.addf %slice3A_15, %mul3A_17 : vector<1000x1xf32>
    %slice3A_18 = vector.extract_strided_slice %get3A_9 {offsets = [0, 1], sizes = [1000, 1], strides = [1, 1]} : vector<1000x4xf32> to vector<1000x1xf32>
    %mul3A_19 = arith.constant 5.000000e-01 : f32
    %mul3A_20 = vector.broadcast %mul3A_19 : f32 to vector<1000x1xf32>
    %mul3A_21 = arith.mulf %mul3A_20, %sub3A_14 : vector<1000x1xf32>
    %add3A_22 = arith.addf %slice3A_18, %mul3A_21 : vector<1000x1xf32>
    %get3A_23 = arith.constant 0 : index
    %get3A_24 = arith.constant 0 : index
    %get3A_25 = vector.load %arg2[%get3A_23, %get3A_24] : memref<1000x91xf32, #tpu.memory_space<vmem>>, vector<1000x91xf32>
    %div3A_26 = arith.constant 1.000000e+01 : f32
    %div3A_27 = vector.broadcast %div3A_26 : f32 to vector<1000x91xf32>
    %div3A_28 = arith.divf %get3A_25, %div3A_27 : vector<1000x91xf32>
    %get3A_29 = arith.constant 0 : index
    %get3A_30 = arith.constant 0 : index
    %get3A_31 = vector.load %arg3[%get3A_29, %get3A_30] : memref<1000x91xf32, #tpu.memory_space<vmem>>, vector<1000x91xf32>
    %div3A_32 = arith.constant 1.000000e+01 : f32
    %div3A_33 = vector.broadcast %div3A_32 : f32 to vector<1000x91xf32>
    %div3A_34 = arith.divf %get3A_31, %div3A_33 : vector<1000x91xf32>
    %get3A_35 = arith.constant 0 : index
    %get3A_36 = arith.constant 0 : index
    %get3A_37 = vector.load %arg4[%get3A_35, %get3A_36] : memref<1000x91xf32, #tpu.memory_space<vmem>>, vector<1000x91xf32>
    %div3A_38 = arith.constant 5.000000e+00 : f32
    %div3A_39 = vector.broadcast %div3A_38 : f32 to vector<1000x91xf32>
    %div3A_40 = arith.divf %get3A_37, %div3A_39 : vector<1000x91xf32>
    %min3A = arith.constant 4.13516665 : f32
    %min3A_41 = vector.broadcast %min3A : f32 to vector<1000x91xf32>
    %min3A_42 = arith.minimumf %div3A_40, %min3A_41 : vector<1000x91xf32>
    %get3A_43 = arith.constant 0 : index
    %get3A_44 = arith.constant 0 : index
    %get3A_45 = vector.load %arg5[%get3A_43, %get3A_44] : memref<1000x91xf32, #tpu.memory_space<vmem>>, vector<1000x91xf32>
    %div3A_46 = arith.constant 5.000000e+00 : f32
    %div3A_47 = vector.broadcast %div3A_46 : f32 to vector<1000x91xf32>
    %div3A_48 = arith.divf %get3A_45, %div3A_47 : vector<1000x91xf32>
    %min3A_49 = arith.constant 4.13516665 : f32
    %min3A_50 = vector.broadcast %min3A_49 : f32 to vector<1000x91xf32>
    %min3A_51 = arith.minimumf %div3A_48, %min3A_50 : vector<1000x91xf32>
    %mul3A_52 = vector.broadcast %sub3A_11 : vector<1000x1xf32> to vector<1000x91xf32>
    %mul3A_53 = arith.mulf %div3A_28, %mul3A_52 : vector<1000x91xf32>
    %add3A_54 = vector.broadcast %add3A : vector<1000x1xf32> to vector<1000x91xf32>
    %add3A_55 = arith.addf %mul3A_53, %add3A_54 : vector<1000x91xf32>
    %mul3A_56 = vector.broadcast %sub3A_14 : vector<1000x1xf32> to vector<1000x91xf32>
    %mul3A_57 = arith.mulf %div3A_34, %mul3A_56 : vector<1000x91xf32>
    %add3A_58 = vector.broadcast %add3A_22 : vector<1000x1xf32> to vector<1000x91xf32>
    %add3A_59 = arith.addf %mul3A_57, %add3A_58 : vector<1000x91xf32>
    %exp3A_60 = math.exp %min3A_42 : vector<1000x91xf32>
    %mul3A_61 = vector.broadcast %sub3A_11 : vector<1000x1xf32> to vector<1000x91xf32>
    %mul3A_62 = arith.mulf %exp3A_60, %mul3A_61 : vector<1000x91xf32>
    %exp3A_63 = math.exp %min3A_51 : vector<1000x91xf32>
    %mul3A_64 = vector.broadcast %sub3A_14 : vector<1000x1xf32> to vector<1000x91xf32>
    %mul3A_65 = arith.mulf %exp3A_63, %mul3A_64 : vector<1000x91xf32>
    %mul3A_66 = arith.constant 5.000000e-01 : f32
    %mul3A_67 = vector.broadcast %mul3A_66 : f32 to vector<1000x91xf32>
    %mul3A_68 = arith.mulf %mul3A_67, %mul3A_62 : vector<1000x91xf32>
    %sub3A_69 = arith.subf %add3A_55, %mul3A_68 : vector<1000x91xf32>
    %jit3A = arith.constant 0.000000e+00 : f32
    %jit3A_70 = arith.constant 8.000000e+02 : f32
    %max3A = vector.broadcast %jit3A : f32 to vector<1000x91xf32>
    %max3A_71 = arith.maximumf %max3A, %sub3A_69 : vector<1000x91xf32>
    %min3A_72 = vector.broadcast %jit3A_70 : f32 to vector<1000x91xf32>
    %min3A_73 = arith.minimumf %min3A_72, %max3A_71 : vector<1000x91xf32>
    %mul3A_74 = arith.constant 5.000000e-01 : f32
    %mul3A_75 = vector.broadcast %mul3A_74 : f32 to vector<1000x91xf32>
    %mul3A_76 = arith.mulf %mul3A_75, %mul3A_62 : vector<1000x91xf32>
    %add3A_77 = arith.addf %add3A_55, %mul3A_76 : vector<1000x91xf32>
    %jit3A_78 = arith.constant 0.000000e+00 : f32
    %jit3A_79 = arith.constant 8.000000e+02 : f32
    %max3A_80 = vector.broadcast %jit3A_78 : f32 to vector<1000x91xf32>
    %max3A_81 = arith.maximumf %max3A_80, %add3A_77 : vector<1000x91xf32>
    %min3A_82 = vector.broadcast %jit3A_79 : f32 to vector<1000x91xf32>
    %min3A_83 = arith.minimumf %min3A_82, %max3A_81 : vector<1000x91xf32>
    %mul3A_84 = arith.constant 5.000000e-01 : f32
    %mul3A_85 = vector.broadcast %mul3A_84 : f32 to vector<1000x91xf32>
    %mul3A_86 = arith.mulf %mul3A_85, %mul3A_65 : vector<1000x91xf32>
    %sub3A_87 = arith.subf %add3A_59, %mul3A_86 : vector<1000x91xf32>
    %jit3A_88 = arith.constant 0.000000e+00 : f32
    %jit3A_89 = arith.constant 8.000000e+02 : f32
    %max3A_90 = vector.broadcast %jit3A_88 : f32 to vector<1000x91xf32>
    %max3A_91 = arith.maximumf %max3A_90, %sub3A_87 : vector<1000x91xf32>
    %min3A_92 = vector.broadcast %jit3A_89 : f32 to vector<1000x91xf32>
    %min3A_93 = arith.minimumf %min3A_92, %max3A_91 : vector<1000x91xf32>
    %mul3A_94 = arith.constant 5.000000e-01 : f32
    %mul3A_95 = vector.broadcast %mul3A_94 : f32 to vector<1000x91xf32>
    %mul3A_96 = arith.mulf %mul3A_95, %mul3A_65 : vector<1000x91xf32>
    %add3A_97 = arith.addf %add3A_59, %mul3A_96 : vector<1000x91xf32>
    %jit3A_98 = arith.constant 0.000000e+00 : f32
    %jit3A_99 = arith.constant 8.000000e+02 : f32
    %max3A_100 = vector.broadcast %jit3A_98 : f32 to vector<1000x91xf32>
    %max3A_101 = arith.maximumf %max3A_100, %add3A_97 : vector<1000x91xf32>
    %min3A_102 = vector.broadcast %jit3A_99 : f32 to vector<1000x91xf32>
    %min3A_103 = arith.minimumf %min3A_102, %max3A_101 : vector<1000x91xf32>
    %iota3A = tpu.iota {dimensions = array<i32: 1>} : vector<1000x91xi32>
    %gt3A = arith.constant 5.000000e-02 : f32
    %gt3A_104 = vector.broadcast %gt3A : f32 to vector<1000x91xf32>
    %gt3A_105 = arith.cmpf ogt, %div3A_6, %gt3A_104 : vector<1000x91xf32>
    %sub3A_106 = arith.subf %min3A_83, %min3A_73 : vector<1000x91xf32>
    %ge3A = arith.constant 0.00999999977 : f32
    %ge3A_107 = vector.broadcast %ge3A : f32 to vector<1000x91xf32>
    %ge3A_108 = arith.cmpf oge, %sub3A_106, %ge3A_107 : vector<1000x91xf32>
    %and3A = arith.andi %gt3A_105, %ge3A_108 : vector<1000x91xi1>
    %sub3A_109 = arith.subf %min3A_103, %min3A_93 : vector<1000x91xf32>
    %ge3A_110 = arith.constant 0.00999999977 : f32
    %ge3A_111 = vector.broadcast %ge3A_110 : f32 to vector<1000x91xf32>
    %ge3A_112 = arith.cmpf oge, %sub3A_109, %ge3A_111 : vector<1000x91xf32>
    %and3A_113 = arith.andi %and3A, %ge3A_112 : vector<1000x91xi1>
    %ge3A_114 = arith.constant 1 : i32
    %ge3A_115 = vector.broadcast %ge3A_114 : i32 to vector<1000x91xi32>
    %ge3A_116 = arith.cmpi sge, %iota3A, %ge3A_115 : vector<1000x91xi32>
    %and3A_117 = arith.andi %and3A_113, %ge3A_116 : vector<1000x91xi1>
    %jit3A_118 = arith.constant -1.000000e+00 : f32
    %broadcast_in_dim3A_119 = vector.broadcast %jit3A_118 : f32 to vector<1000x91xf32>
    %select_n3A = arith.select %and3A_117, %div3A_6, %broadcast_in_dim3A_119 : vector<1000x91xi1>, vector<1000x91xf32>
    %swap3A = arith.constant 0 : index
    %swap3A_120 = arith.constant 0 : index
    %swap3A_121 = vector.load %arg7[%swap3A, %swap3A_120] : memref<1000x91xf32, #tpu.memory_space<vmem>>, vector<1000x91xf32>
    tpu.vector_store %arg7[%swap3A, %swap3A_120], %select_n3A {strides = array<i32>} : memref<1000x91xf32, #tpu.memory_space<vmem>>, vector<1000x91xf32>,
    %reduce_max3A_122 = arith.constant dense<0xFF800000> : vector<1000xf32>
    %reduce_max3A_123 = vector.multi_reduction <maximumf>, %select_n3A, %reduce_max3A_122 [1] : vector<1000x91xf32> to vector<1000xf32>
    %broadcast_in_dim3A_124 = vector.shape_cast %reduce_max3A_123 : vector<1000xf32> to vector<1000x1xf32>
    %swap3A_125 = arith.constant 0 : index
    %swap3A_126 = arith.constant 0 : index
    %swap3A_127 = vector.load %arg8[%swap3A_125, %swap3A_126] : memref<1000x1xf32, #tpu.memory_space<vmem>>, vector<1000x1xf32>
    tpu.vector_store %arg8[%swap3A_125, %swap3A_126], %broadcast_in_dim3A_124 {strides = array<i32>} : memref<1000x1xf32, #tpu.memory_space<vmem>>, vector<1000x1xf32>,
    return
  }
  func.func @transform_0(%arg0: i32) -> (i32, i32) {
    %c0_i32 = arith.constant 0 : i32
    %c0_i32_0 = arith.constant 0 : i32
    return %arg0, %c0_i32 : i32, i32
  }
  func.func @transform_1(%arg0: i32) -> (i32, i32) {
    %c0_i32 = arith.constant 0 : i32
    %c0_i32_0 = arith.constant 0 : i32
    return %arg0, %c0_i32 : i32, i32
  }
  func.func @transform_2(%arg0: i32) -> (i32, i32) {
    %c0_i32 = arith.constant 0 : i32
    %c0_i32_0 = arith.constant 0 : i32
    return %arg0, %c0_i32 : i32, i32
  }
  func.func @transform_3(%arg0: i32) -> (i32, i32) {
    %c0_i32 = arith.constant 0 : i32
    %c0_i32_0 = arith.constant 0 : i32
    return %arg0, %c0_i32 : i32, i32
  }
  func.func @transform_4(%arg0: i32) -> (i32, i32) {
    %c0_i32 = arith.constant 0 : i32
    %c0_i32_0 = arith.constant 0 : i32
    return %arg0, %c0_i32 : i32, i32
  }
  func.func @transform_5(%arg0: i32) -> (i32, i32) {
    %c0_i32 = arith.constant 0 : i32
    %c0_i32_0 = arith.constant 0 : i32
    return %arg0, %c0_i32 : i32, i32
  }
  func.func @transform_6(%arg0: i32) -> (i32, i32) {
    %c0_i32 = arith.constant 0 : i32
    %c0_i32_0 = arith.constant 0 : i32
    return %arg0, %c0_i32 : i32, i32
  }
  func.func @transform_7(%arg0: i32) -> (i32, i32) {
    %c0_i32 = arith.constant 0 : i32
    %c0_i32_0 = arith.constant 0 : i32
    return %arg0, %c0_i32 : i32, i32
  }
}

module attributes {stable_mosaic.version = 14 : i64} {
  func.func @_nms_body(%arg0: memref<1024x128xf32, #tpu.memory_space<vmem>>, %arg1: memref<1024x128xf32, #tpu.memory_space<vmem>>, %arg2: memref<1024x1xi32, #tpu.memory_space<vmem>>, %arg3: memref<1024x1xi32, #tpu.memory_space<vmem>>, %arg4: memref<1024x1xi32, #tpu.memory_space<vmem>>, %arg5: memref<1x1024xf32, #tpu.memory_space<vmem>>, %arg6: memref<1x1024xf32, #tpu.memory_space<vmem>>, %arg7: memref<1024x4xf32, #tpu.memory_space<vmem>>, %arg8: memref<1024x1024xf32, #tpu.memory_space<vmem>>) attributes {dimension_semantics = [], scalar_prefetch = 0 : i64, scratch_operands = 1 : i64, tpu.core_type = #tpu.core_type<tc>} {
    %get3A = arith.constant 0 : index
    %get3A_0 = arith.constant 0 : index
    %get3A_1 = vector.load %arg4[%get3A, %get3A_0] : memref<1024x1xi32, #tpu.memory_space<vmem>>, vector<1024x1xi32>
    %iota3A = tpu.iota {dimensions = array<i32: 1>} : vector<1024x128xi32>
    %get3A_2 = arith.constant 0 : index
    %get3A_3 = arith.constant 0 : index
    %get3A_4 = vector.load %arg0[%get3A_2, %get3A_3] : memref<1024x128xf32, #tpu.memory_space<vmem>>, vector<1024x128xf32>
    %get3A_5 = arith.constant 0 : index
    %get3A_6 = arith.constant 0 : index
    %get3A_7 = vector.load %arg1[%get3A_5, %get3A_6] : memref<1024x128xf32, #tpu.memory_space<vmem>>, vector<1024x128xf32>
    %get3A_8 = arith.constant 0 : index
    %get3A_9 = arith.constant 0 : index
    %get3A_10 = vector.load %arg2[%get3A_8, %get3A_9] : memref<1024x1xi32, #tpu.memory_space<vmem>>, vector<1024x1xi32>
    %get3A_11 = arith.constant 0 : index
    %get3A_12 = arith.constant 0 : index
    %get3A_13 = vector.load %arg3[%get3A_11, %get3A_12] : memref<1024x1xi32, #tpu.memory_space<vmem>>, vector<1024x1xi32>
    %add3A = arith.constant 0 : i32
    %add3A_14 = vector.broadcast %add3A : i32 to vector<1024x1xi32>
    %add3A_15 = arith.addi %get3A_10, %add3A_14 : vector<1024x1xi32>
    %eq3A = vector.broadcast %add3A_15 : vector<1024x1xi32> to vector<1024x128xi32>
    %eq3A_16 = arith.cmpi eq, %iota3A, %eq3A : vector<1024x128xi32>
    %jit3A = arith.constant 0.000000e+00 : f32
    %broadcast_in_dim3A = vector.broadcast %jit3A : f32 to vector<1024x128xf32>
    %select_n3A = arith.select %eq3A_16, %get3A_4, %broadcast_in_dim3A : vector<1024x128xi1>, vector<1024x128xf32>
    %reduce_sum3A = arith.constant dense<0.000000e+00> : vector<1024xf32>
    %reduce_sum3A_17 = vector.multi_reduction <add>, %select_n3A, %reduce_sum3A [1] : vector<1024x128xf32> to vector<1024xf32>
    %broadcast_in_dim3A_18 = vector.shape_cast %reduce_sum3A_17 : vector<1024xf32> to vector<1024x1xf32>
    %add3A_19 = arith.constant 1 : i32
    %add3A_20 = vector.broadcast %add3A_19 : i32 to vector<1024x1xi32>
    %add3A_21 = arith.addi %get3A_10, %add3A_20 : vector<1024x1xi32>
    %eq3A_22 = vector.broadcast %add3A_21 : vector<1024x1xi32> to vector<1024x128xi32>
    %eq3A_23 = arith.cmpi eq, %iota3A, %eq3A_22 : vector<1024x128xi32>
    %jit3A_24 = arith.constant 0.000000e+00 : f32
    %broadcast_in_dim3A_25 = vector.broadcast %jit3A_24 : f32 to vector<1024x128xf32>
    %select_n3A_26 = arith.select %eq3A_23, %get3A_4, %broadcast_in_dim3A_25 : vector<1024x128xi1>, vector<1024x128xf32>
    %reduce_sum3A_27 = arith.constant dense<0.000000e+00> : vector<1024xf32>
    %reduce_sum3A_28 = vector.multi_reduction <add>, %select_n3A_26, %reduce_sum3A_27 [1] : vector<1024x128xf32> to vector<1024xf32>
    %broadcast_in_dim3A_29 = vector.shape_cast %reduce_sum3A_28 : vector<1024xf32> to vector<1024x1xf32>
    %add3A_30 = arith.constant 2 : i32
    %add3A_31 = vector.broadcast %add3A_30 : i32 to vector<1024x1xi32>
    %add3A_32 = arith.addi %get3A_10, %add3A_31 : vector<1024x1xi32>
    %eq3A_33 = vector.broadcast %add3A_32 : vector<1024x1xi32> to vector<1024x128xi32>
    %eq3A_34 = arith.cmpi eq, %iota3A, %eq3A_33 : vector<1024x128xi32>
    %jit3A_35 = arith.constant 0.000000e+00 : f32
    %broadcast_in_dim3A_36 = vector.broadcast %jit3A_35 : f32 to vector<1024x128xf32>
    %select_n3A_37 = arith.select %eq3A_34, %get3A_4, %broadcast_in_dim3A_36 : vector<1024x128xi1>, vector<1024x128xf32>
    %reduce_sum3A_38 = arith.constant dense<0.000000e+00> : vector<1024xf32>
    %reduce_sum3A_39 = vector.multi_reduction <add>, %select_n3A_37, %reduce_sum3A_38 [1] : vector<1024x128xf32> to vector<1024xf32>
    %broadcast_in_dim3A_40 = vector.shape_cast %reduce_sum3A_39 : vector<1024xf32> to vector<1024x1xf32>
    %add3A_41 = arith.constant 3 : i32
    %add3A_42 = vector.broadcast %add3A_41 : i32 to vector<1024x1xi32>
    %add3A_43 = arith.addi %get3A_10, %add3A_42 : vector<1024x1xi32>
    %eq3A_44 = vector.broadcast %add3A_43 : vector<1024x1xi32> to vector<1024x128xi32>
    %eq3A_45 = arith.cmpi eq, %iota3A, %eq3A_44 : vector<1024x128xi32>
    %jit3A_46 = arith.constant 0.000000e+00 : f32
    %broadcast_in_dim3A_47 = vector.broadcast %jit3A_46 : f32 to vector<1024x128xf32>
    %select_n3A_48 = arith.select %eq3A_45, %get3A_4, %broadcast_in_dim3A_47 : vector<1024x128xi1>, vector<1024x128xf32>
    %reduce_sum3A_49 = arith.constant dense<0.000000e+00> : vector<1024xf32>
    %reduce_sum3A_50 = vector.multi_reduction <add>, %select_n3A_48, %reduce_sum3A_49 [1] : vector<1024x128xf32> to vector<1024xf32>
    %broadcast_in_dim3A_51 = vector.shape_cast %reduce_sum3A_50 : vector<1024xf32> to vector<1024x1xf32>
    %add3A_52 = arith.constant 0 : i32
    %add3A_53 = vector.broadcast %add3A_52 : i32 to vector<1024x1xi32>
    %add3A_54 = arith.addi %get3A_13, %add3A_53 : vector<1024x1xi32>
    %eq3A_55 = vector.broadcast %add3A_54 : vector<1024x1xi32> to vector<1024x128xi32>
    %eq3A_56 = arith.cmpi eq, %iota3A, %eq3A_55 : vector<1024x128xi32>
    %jit3A_57 = arith.constant 0.000000e+00 : f32
    %broadcast_in_dim3A_58 = vector.broadcast %jit3A_57 : f32 to vector<1024x128xf32>
    %select_n3A_59 = arith.select %eq3A_56, %get3A_7, %broadcast_in_dim3A_58 : vector<1024x128xi1>, vector<1024x128xf32>
    %reduce_sum3A_60 = arith.constant dense<0.000000e+00> : vector<1024xf32>
    %reduce_sum3A_61 = vector.multi_reduction <add>, %select_n3A_59, %reduce_sum3A_60 [1] : vector<1024x128xf32> to vector<1024xf32>
    %broadcast_in_dim3A_62 = vector.shape_cast %reduce_sum3A_61 : vector<1024xf32> to vector<1024x1xf32>
    %add3A_63 = arith.constant 1 : i32
    %add3A_64 = vector.broadcast %add3A_63 : i32 to vector<1024x1xi32>
    %add3A_65 = arith.addi %get3A_13, %add3A_64 : vector<1024x1xi32>
    %eq3A_66 = vector.broadcast %add3A_65 : vector<1024x1xi32> to vector<1024x128xi32>
    %eq3A_67 = arith.cmpi eq, %iota3A, %eq3A_66 : vector<1024x128xi32>
    %jit3A_68 = arith.constant 0.000000e+00 : f32
    %broadcast_in_dim3A_69 = vector.broadcast %jit3A_68 : f32 to vector<1024x128xf32>
    %select_n3A_70 = arith.select %eq3A_67, %get3A_7, %broadcast_in_dim3A_69 : vector<1024x128xi1>, vector<1024x128xf32>
    %reduce_sum3A_71 = arith.constant dense<0.000000e+00> : vector<1024xf32>
    %reduce_sum3A_72 = vector.multi_reduction <add>, %select_n3A_70, %reduce_sum3A_71 [1] : vector<1024x128xf32> to vector<1024xf32>
    %broadcast_in_dim3A_73 = vector.shape_cast %reduce_sum3A_72 : vector<1024xf32> to vector<1024x1xf32>
    %add3A_74 = arith.constant 2 : i32
    %add3A_75 = vector.broadcast %add3A_74 : i32 to vector<1024x1xi32>
    %add3A_76 = arith.addi %get3A_13, %add3A_75 : vector<1024x1xi32>
    %eq3A_77 = vector.broadcast %add3A_76 : vector<1024x1xi32> to vector<1024x128xi32>
    %eq3A_78 = arith.cmpi eq, %iota3A, %eq3A_77 : vector<1024x128xi32>
    %jit3A_79 = arith.constant 0.000000e+00 : f32
    %broadcast_in_dim3A_80 = vector.broadcast %jit3A_79 : f32 to vector<1024x128xf32>
    %select_n3A_81 = arith.select %eq3A_78, %get3A_7, %broadcast_in_dim3A_80 : vector<1024x128xi1>, vector<1024x128xf32>
    %reduce_sum3A_82 = arith.constant dense<0.000000e+00> : vector<1024xf32>
    %reduce_sum3A_83 = vector.multi_reduction <add>, %select_n3A_81, %reduce_sum3A_82 [1] : vector<1024x128xf32> to vector<1024xf32>
    %broadcast_in_dim3A_84 = vector.shape_cast %reduce_sum3A_83 : vector<1024xf32> to vector<1024x1xf32>
    %add3A_85 = arith.constant 3 : i32
    %add3A_86 = vector.broadcast %add3A_85 : i32 to vector<1024x1xi32>
    %add3A_87 = arith.addi %get3A_13, %add3A_86 : vector<1024x1xi32>
    %eq3A_88 = vector.broadcast %add3A_87 : vector<1024x1xi32> to vector<1024x128xi32>
    %eq3A_89 = arith.cmpi eq, %iota3A, %eq3A_88 : vector<1024x128xi32>
    %jit3A_90 = arith.constant 0.000000e+00 : f32
    %broadcast_in_dim3A_91 = vector.broadcast %jit3A_90 : f32 to vector<1024x128xf32>
    %select_n3A_92 = arith.select %eq3A_89, %get3A_7, %broadcast_in_dim3A_91 : vector<1024x128xi1>, vector<1024x128xf32>
    %reduce_sum3A_93 = arith.constant dense<0.000000e+00> : vector<1024xf32>
    %reduce_sum3A_94 = vector.multi_reduction <add>, %select_n3A_92, %reduce_sum3A_93 [1] : vector<1024x128xf32> to vector<1024xf32>
    %broadcast_in_dim3A_95 = vector.shape_cast %reduce_sum3A_94 : vector<1024xf32> to vector<1024x1xf32>
    %convert_element_type3A = arith.sitofp %get3A_1 : vector<1024x1xi32> to vector<1024x1xf32>
    %broadcast_in_dim3A_96 = arith.constant 0.000000e+00 : f32
    %broadcast_in_dim3A_97 = vector.broadcast %broadcast_in_dim3A_96 : f32 to vector<1024x1xf32>
    %concatenate3A = tpu.concatenate %broadcast_in_dim3A_18, %broadcast_in_dim3A_29, %broadcast_in_dim3A_40, %broadcast_in_dim3A_51, %broadcast_in_dim3A_62, %broadcast_in_dim3A_73, %broadcast_in_dim3A_84, %broadcast_in_dim3A_95, %convert_element_type3A, %broadcast_in_dim3A_97, %broadcast_in_dim3A_97, %broadcast_in_dim3A_97, %broadcast_in_dim3A_97, %broadcast_in_dim3A_97, %broadcast_in_dim3A_97, %broadcast_in_dim3A_97 in 1 : vector<1024x1xf32>, vector<1024x1xf32>, vector<1024x1xf32>, vector<1024x1xf32>, vector<1024x1xf32>, vector<1024x1xf32>, vector<1024x1xf32>, vector<1024x1xf32>, vector<1024x1xf32>, vector<1024x1xf32>, vector<1024x1xf32>, vector<1024x1xf32>, vector<1024x1xf32>, vector<1024x1xf32>, vector<1024x1xf32>, vector<1024x1xf32> -> vector<1024x16xf32>
    %iota3A_98 = tpu.iota {dimensions = array<i32: 0>} : vector<1024x1024xi32>
    %iota3A_99 = tpu.iota {dimensions = array<i32: 1>} : vector<1024x1024xi32>
    %eq3A_100 = arith.cmpi eq, %iota3A_98, %iota3A_99 : vector<1024x1024xi32>
    %jit3A_101 = arith.constant 1.000000e+00 : f32
    %jit3A_102 = arith.constant 0.000000e+00 : f32
    %broadcast_in_dim3A_103 = vector.broadcast %jit3A_101 : f32 to vector<1024x1024xf32>
    %broadcast_in_dim3A_104 = vector.broadcast %jit3A_102 : f32 to vector<1024x1024xf32>
    %select_n3A_105 = arith.select %eq3A_100, %broadcast_in_dim3A_103, %broadcast_in_dim3A_104 : vector<1024x1024xi1>, vector<1024x1024xf32>
    %dot_general3A = arith.constant dense<0.000000e+00> : vector<16x1024xf32>
    %dot_general3A_106 = tpu.matmul %concatenate3A, %select_n3A_105, %dot_general3A {dimension_numbers = #tpu.dot_dimension_numbers<[0], [0], [1], [1], [0, 1, 1, 1], [], []>, precision = #tpu.contract_precision<fp32>, transpose_lhs_hint = false} : vector<1024x16xf32>, vector<1024x1024xf32>, vector<16x1024xf32> -> vector<16x1024xf32>
    %slice3A = vector.extract_strided_slice %concatenate3A {offsets = [0, 0], sizes = [1024, 1], strides = [1, 1]} : vector<1024x16xf32> to vector<1024x1xf32>
    %slice3A_107 = vector.extract_strided_slice %concatenate3A {offsets = [0, 1], sizes = [1024, 1], strides = [1, 1]} : vector<1024x16xf32> to vector<1024x1xf32>
    %slice3A_108 = vector.extract_strided_slice %concatenate3A {offsets = [0, 2], sizes = [1024, 1], strides = [1, 1]} : vector<1024x16xf32> to vector<1024x1xf32>
    %slice3A_109 = vector.extract_strided_slice %concatenate3A {offsets = [0, 3], sizes = [1024, 1], strides = [1, 1]} : vector<1024x16xf32> to vector<1024x1xf32>
    %slice3A_110 = vector.extract_strided_slice %concatenate3A {offsets = [0, 4], sizes = [1024, 1], strides = [1, 1]} : vector<1024x16xf32> to vector<1024x1xf32>
    %slice3A_111 = vector.extract_strided_slice %concatenate3A {offsets = [0, 5], sizes = [1024, 1], strides = [1, 1]} : vector<1024x16xf32> to vector<1024x1xf32>
    %slice3A_112 = vector.extract_strided_slice %concatenate3A {offsets = [0, 6], sizes = [1024, 1], strides = [1, 1]} : vector<1024x16xf32> to vector<1024x1xf32>
    %slice3A_113 = vector.extract_strided_slice %concatenate3A {offsets = [0, 7], sizes = [1024, 1], strides = [1, 1]} : vector<1024x16xf32> to vector<1024x1xf32>
    %sub3A = arith.subf %slice3A_112, %slice3A_110 : vector<1024x1xf32>
    %sub3A_114 = arith.subf %slice3A_113, %slice3A_111 : vector<1024x1xf32>
    %mul3A = arith.constant 5.000000e-01 : f32
    %mul3A_115 = vector.broadcast %mul3A : f32 to vector<1024x1xf32>
    %mul3A_116 = arith.mulf %mul3A_115, %sub3A : vector<1024x1xf32>
    %add3A_117 = arith.addf %slice3A_110, %mul3A_116 : vector<1024x1xf32>
    %mul3A_118 = arith.constant 5.000000e-01 : f32
    %mul3A_119 = vector.broadcast %mul3A_118 : f32 to vector<1024x1xf32>
    %mul3A_120 = arith.mulf %mul3A_119, %sub3A_114 : vector<1024x1xf32>
    %add3A_121 = arith.addf %slice3A_111, %mul3A_120 : vector<1024x1xf32>
    %div3A = arith.constant 1.000000e+01 : f32
    %div3A_122 = vector.broadcast %div3A : f32 to vector<1024x1xf32>
    %div3A_123 = arith.divf %slice3A, %div3A_122 : vector<1024x1xf32>
    %div3A_124 = arith.constant 1.000000e+01 : f32
    %div3A_125 = vector.broadcast %div3A_124 : f32 to vector<1024x1xf32>
    %div3A_126 = arith.divf %slice3A_107, %div3A_125 : vector<1024x1xf32>
    %div3A_127 = arith.constant 5.000000e+00 : f32
    %div3A_128 = vector.broadcast %div3A_127 : f32 to vector<1024x1xf32>
    %div3A_129 = arith.divf %slice3A_108, %div3A_128 : vector<1024x1xf32>
    %min3A = arith.constant 4.13516665 : f32
    %min3A_130 = vector.broadcast %min3A : f32 to vector<1024x1xf32>
    %min3A_131 = arith.minimumf %div3A_129, %min3A_130 : vector<1024x1xf32>
    %div3A_132 = arith.constant 5.000000e+00 : f32
    %div3A_133 = vector.broadcast %div3A_132 : f32 to vector<1024x1xf32>
    %div3A_134 = arith.divf %slice3A_109, %div3A_133 : vector<1024x1xf32>
    %min3A_135 = arith.constant 4.13516665 : f32
    %min3A_136 = vector.broadcast %min3A_135 : f32 to vector<1024x1xf32>
    %min3A_137 = arith.minimumf %div3A_134, %min3A_136 : vector<1024x1xf32>
    %mul3A_138 = arith.mulf %div3A_123, %sub3A : vector<1024x1xf32>
    %add3A_139 = arith.addf %mul3A_138, %add3A_117 : vector<1024x1xf32>
    %mul3A_140 = arith.mulf %div3A_126, %sub3A_114 : vector<1024x1xf32>
    %add3A_141 = arith.addf %mul3A_140, %add3A_121 : vector<1024x1xf32>
    %exp3A = math.exp %min3A_131 : vector<1024x1xf32>
    %mul3A_142 = arith.mulf %exp3A, %sub3A : vector<1024x1xf32>
    %exp3A_143 = math.exp %min3A_137 : vector<1024x1xf32>
    %mul3A_144 = arith.mulf %exp3A_143, %sub3A_114 : vector<1024x1xf32>
    %mul3A_145 = arith.constant 5.000000e-01 : f32
    %mul3A_146 = vector.broadcast %mul3A_145 : f32 to vector<1024x1xf32>
    %mul3A_147 = arith.mulf %mul3A_146, %mul3A_142 : vector<1024x1xf32>
    %sub3A_148 = arith.subf %add3A_139, %mul3A_147 : vector<1024x1xf32>
    %jit3A_149 = arith.constant 0.000000e+00 : f32
    %jit3A_150 = arith.constant 8.000000e+02 : f32
    %max3A = vector.broadcast %jit3A_149 : f32 to vector<1024x1xf32>
    %max3A_151 = arith.maximumf %max3A, %sub3A_148 : vector<1024x1xf32>
    %min3A_152 = vector.broadcast %jit3A_150 : f32 to vector<1024x1xf32>
    %min3A_153 = arith.minimumf %min3A_152, %max3A_151 : vector<1024x1xf32>
    %mul3A_154 = arith.constant 5.000000e-01 : f32
    %mul3A_155 = vector.broadcast %mul3A_154 : f32 to vector<1024x1xf32>
    %mul3A_156 = arith.mulf %mul3A_155, %mul3A_142 : vector<1024x1xf32>
    %add3A_157 = arith.addf %add3A_139, %mul3A_156 : vector<1024x1xf32>
    %jit3A_158 = arith.constant 0.000000e+00 : f32
    %jit3A_159 = arith.constant 8.000000e+02 : f32
    %max3A_160 = vector.broadcast %jit3A_158 : f32 to vector<1024x1xf32>
    %max3A_161 = arith.maximumf %max3A_160, %add3A_157 : vector<1024x1xf32>
    %min3A_162 = vector.broadcast %jit3A_159 : f32 to vector<1024x1xf32>
    %min3A_163 = arith.minimumf %min3A_162, %max3A_161 : vector<1024x1xf32>
    %mul3A_164 = arith.constant 5.000000e-01 : f32
    %mul3A_165 = vector.broadcast %mul3A_164 : f32 to vector<1024x1xf32>
    %mul3A_166 = arith.mulf %mul3A_165, %mul3A_144 : vector<1024x1xf32>
    %sub3A_167 = arith.subf %add3A_141, %mul3A_166 : vector<1024x1xf32>
    %jit3A_168 = arith.constant 0.000000e+00 : f32
    %jit3A_169 = arith.constant 8.000000e+02 : f32
    %max3A_170 = vector.broadcast %jit3A_168 : f32 to vector<1024x1xf32>
    %max3A_171 = arith.maximumf %max3A_170, %sub3A_167 : vector<1024x1xf32>
    %min3A_172 = vector.broadcast %jit3A_169 : f32 to vector<1024x1xf32>
    %min3A_173 = arith.minimumf %min3A_172, %max3A_171 : vector<1024x1xf32>
    %mul3A_174 = arith.constant 5.000000e-01 : f32
    %mul3A_175 = vector.broadcast %mul3A_174 : f32 to vector<1024x1xf32>
    %mul3A_176 = arith.mulf %mul3A_175, %mul3A_144 : vector<1024x1xf32>
    %add3A_177 = arith.addf %add3A_141, %mul3A_176 : vector<1024x1xf32>
    %jit3A_178 = arith.constant 0.000000e+00 : f32
    %jit3A_179 = arith.constant 8.000000e+02 : f32
    %max3A_180 = vector.broadcast %jit3A_178 : f32 to vector<1024x1xf32>
    %max3A_181 = arith.maximumf %max3A_180, %add3A_177 : vector<1024x1xf32>
    %min3A_182 = vector.broadcast %jit3A_179 : f32 to vector<1024x1xf32>
    %min3A_183 = arith.minimumf %min3A_182, %max3A_181 : vector<1024x1xf32>
    %slice3A_184 = vector.extract_strided_slice %dot_general3A_106 {offsets = [0, 0], sizes = [1, 1024], strides = [1, 1]} : vector<16x1024xf32> to vector<1x1024xf32>
    %slice3A_185 = vector.extract_strided_slice %dot_general3A_106 {offsets = [1, 0], sizes = [1, 1024], strides = [1, 1]} : vector<16x1024xf32> to vector<1x1024xf32>
    %slice3A_186 = vector.extract_strided_slice %dot_general3A_106 {offsets = [2, 0], sizes = [1, 1024], strides = [1, 1]} : vector<16x1024xf32> to vector<1x1024xf32>
    %slice3A_187 = vector.extract_strided_slice %dot_general3A_106 {offsets = [3, 0], sizes = [1, 1024], strides = [1, 1]} : vector<16x1024xf32> to vector<1x1024xf32>
    %slice3A_188 = vector.extract_strided_slice %dot_general3A_106 {offsets = [4, 0], sizes = [1, 1024], strides = [1, 1]} : vector<16x1024xf32> to vector<1x1024xf32>
    %slice3A_189 = vector.extract_strided_slice %dot_general3A_106 {offsets = [5, 0], sizes = [1, 1024], strides = [1, 1]} : vector<16x1024xf32> to vector<1x1024xf32>
    %slice3A_190 = vector.extract_strided_slice %dot_general3A_106 {offsets = [6, 0], sizes = [1, 1024], strides = [1, 1]} : vector<16x1024xf32> to vector<1x1024xf32>
    %slice3A_191 = vector.extract_strided_slice %dot_general3A_106 {offsets = [7, 0], sizes = [1, 1024], strides = [1, 1]} : vector<16x1024xf32> to vector<1x1024xf32>
    %sub3A_192 = arith.subf %slice3A_190, %slice3A_188 : vector<1x1024xf32>
    %sub3A_193 = arith.subf %slice3A_191, %slice3A_189 : vector<1x1024xf32>
    %mul3A_194 = arith.constant 5.000000e-01 : f32
    %mul3A_195 = vector.broadcast %mul3A_194 : f32 to vector<1x1024xf32>
    %mul3A_196 = arith.mulf %mul3A_195, %sub3A_192 : vector<1x1024xf32>
    %add3A_197 = arith.addf %slice3A_188, %mul3A_196 : vector<1x1024xf32>
    %mul3A_198 = arith.constant 5.000000e-01 : f32
    %mul3A_199 = vector.broadcast %mul3A_198 : f32 to vector<1x1024xf32>
    %mul3A_200 = arith.mulf %mul3A_199, %sub3A_193 : vector<1x1024xf32>
    %add3A_201 = arith.addf %slice3A_189, %mul3A_200 : vector<1x1024xf32>
    %div3A_202 = arith.constant 1.000000e+01 : f32
    %div3A_203 = vector.broadcast %div3A_202 : f32 to vector<1x1024xf32>
    %div3A_204 = arith.divf %slice3A_184, %div3A_203 : vector<1x1024xf32>
    %div3A_205 = arith.constant 1.000000e+01 : f32
    %div3A_206 = vector.broadcast %div3A_205 : f32 to vector<1x1024xf32>
    %div3A_207 = arith.divf %slice3A_185, %div3A_206 : vector<1x1024xf32>
    %div3A_208 = arith.constant 5.000000e+00 : f32
    %div3A_209 = vector.broadcast %div3A_208 : f32 to vector<1x1024xf32>
    %div3A_210 = arith.divf %slice3A_186, %div3A_209 : vector<1x1024xf32>
    %min3A_211 = arith.constant 4.13516665 : f32
    %min3A_212 = vector.broadcast %min3A_211 : f32 to vector<1x1024xf32>
    %min3A_213 = arith.minimumf %div3A_210, %min3A_212 : vector<1x1024xf32>
    %div3A_214 = arith.constant 5.000000e+00 : f32
    %div3A_215 = vector.broadcast %div3A_214 : f32 to vector<1x1024xf32>
    %div3A_216 = arith.divf %slice3A_187, %div3A_215 : vector<1x1024xf32>
    %min3A_217 = arith.constant 4.13516665 : f32
    %min3A_218 = vector.broadcast %min3A_217 : f32 to vector<1x1024xf32>
    %min3A_219 = arith.minimumf %div3A_216, %min3A_218 : vector<1x1024xf32>
    %mul3A_220 = arith.mulf %div3A_204, %sub3A_192 : vector<1x1024xf32>
    %add3A_221 = arith.addf %mul3A_220, %add3A_197 : vector<1x1024xf32>
    %mul3A_222 = arith.mulf %div3A_207, %sub3A_193 : vector<1x1024xf32>
    %add3A_223 = arith.addf %mul3A_222, %add3A_201 : vector<1x1024xf32>
    %exp3A_224 = math.exp %min3A_213 : vector<1x1024xf32>
    %mul3A_225 = arith.mulf %exp3A_224, %sub3A_192 : vector<1x1024xf32>
    %exp3A_226 = math.exp %min3A_219 : vector<1x1024xf32>
    %mul3A_227 = arith.mulf %exp3A_226, %sub3A_193 : vector<1x1024xf32>
    %mul3A_228 = arith.constant 5.000000e-01 : f32
    %mul3A_229 = vector.broadcast %mul3A_228 : f32 to vector<1x1024xf32>
    %mul3A_230 = arith.mulf %mul3A_229, %mul3A_225 : vector<1x1024xf32>
    %sub3A_231 = arith.subf %add3A_221, %mul3A_230 : vector<1x1024xf32>
    %jit3A_232 = arith.constant 0.000000e+00 : f32
    %jit3A_233 = arith.constant 8.000000e+02 : f32
    %max3A_234 = vector.broadcast %jit3A_232 : f32 to vector<1x1024xf32>
    %max3A_235 = arith.maximumf %max3A_234, %sub3A_231 : vector<1x1024xf32>
    %min3A_236 = vector.broadcast %jit3A_233 : f32 to vector<1x1024xf32>
    %min3A_237 = arith.minimumf %min3A_236, %max3A_235 : vector<1x1024xf32>
    %mul3A_238 = arith.constant 5.000000e-01 : f32
    %mul3A_239 = vector.broadcast %mul3A_238 : f32 to vector<1x1024xf32>
    %mul3A_240 = arith.mulf %mul3A_239, %mul3A_225 : vector<1x1024xf32>
    %add3A_241 = arith.addf %add3A_221, %mul3A_240 : vector<1x1024xf32>
    %jit3A_242 = arith.constant 0.000000e+00 : f32
    %jit3A_243 = arith.constant 8.000000e+02 : f32
    %max3A_244 = vector.broadcast %jit3A_242 : f32 to vector<1x1024xf32>
    %max3A_245 = arith.maximumf %max3A_244, %add3A_241 : vector<1x1024xf32>
    %min3A_246 = vector.broadcast %jit3A_243 : f32 to vector<1x1024xf32>
    %min3A_247 = arith.minimumf %min3A_246, %max3A_245 : vector<1x1024xf32>
    %mul3A_248 = arith.constant 5.000000e-01 : f32
    %mul3A_249 = vector.broadcast %mul3A_248 : f32 to vector<1x1024xf32>
    %mul3A_250 = arith.mulf %mul3A_249, %mul3A_227 : vector<1x1024xf32>
    %sub3A_251 = arith.subf %add3A_223, %mul3A_250 : vector<1x1024xf32>
    %jit3A_252 = arith.constant 0.000000e+00 : f32
    %jit3A_253 = arith.constant 8.000000e+02 : f32
    %max3A_254 = vector.broadcast %jit3A_252 : f32 to vector<1x1024xf32>
    %max3A_255 = arith.maximumf %max3A_254, %sub3A_251 : vector<1x1024xf32>
    %min3A_256 = vector.broadcast %jit3A_253 : f32 to vector<1x1024xf32>
    %min3A_257 = arith.minimumf %min3A_256, %max3A_255 : vector<1x1024xf32>
    %mul3A_258 = arith.constant 5.000000e-01 : f32
    %mul3A_259 = vector.broadcast %mul3A_258 : f32 to vector<1x1024xf32>
    %mul3A_260 = arith.mulf %mul3A_259, %mul3A_227 : vector<1x1024xf32>
    %add3A_261 = arith.addf %add3A_223, %mul3A_260 : vector<1x1024xf32>
    %jit3A_262 = arith.constant 0.000000e+00 : f32
    %jit3A_263 = arith.constant 8.000000e+02 : f32
    %max3A_264 = vector.broadcast %jit3A_262 : f32 to vector<1x1024xf32>
    %max3A_265 = arith.maximumf %max3A_264, %add3A_261 : vector<1x1024xf32>
    %min3A_266 = vector.broadcast %jit3A_263 : f32 to vector<1x1024xf32>
    %min3A_267 = arith.minimumf %min3A_266, %max3A_265 : vector<1x1024xf32>
    %swap3A = arith.constant 0 : index
    %swap3A_268 = arith.constant 0 : index
    %swap3A_269 = vector.load %arg7[%swap3A, %swap3A_268] : memref<1024x4xf32, #tpu.memory_space<vmem>>, vector<1024x1xf32>
    tpu.vector_store %arg7[%swap3A, %swap3A_268], %min3A_153 {strides = array<i32>} : memref<1024x4xf32, #tpu.memory_space<vmem>>, vector<1024x1xf32>,
    %swap3A_270 = arith.constant 0 : index
    %swap3A_271 = arith.constant 1 : index
    %swap3A_272 = vector.load %arg7[%swap3A_270, %swap3A_271] : memref<1024x4xf32, #tpu.memory_space<vmem>>, vector<1024x1xf32>
    tpu.vector_store %arg7[%swap3A_270, %swap3A_271], %min3A_173 {strides = array<i32>} : memref<1024x4xf32, #tpu.memory_space<vmem>>, vector<1024x1xf32>,
    %swap3A_273 = arith.constant 0 : index
    %swap3A_274 = arith.constant 2 : index
    %swap3A_275 = vector.load %arg7[%swap3A_273, %swap3A_274] : memref<1024x4xf32, #tpu.memory_space<vmem>>, vector<1024x1xf32>
    tpu.vector_store %arg7[%swap3A_273, %swap3A_274], %min3A_163 {strides = array<i32>} : memref<1024x4xf32, #tpu.memory_space<vmem>>, vector<1024x1xf32>,
    %swap3A_276 = arith.constant 0 : index
    %swap3A_277 = arith.constant 3 : index
    %swap3A_278 = vector.load %arg7[%swap3A_276, %swap3A_277] : memref<1024x4xf32, #tpu.memory_space<vmem>>, vector<1024x1xf32>
    tpu.vector_store %arg7[%swap3A_276, %swap3A_277], %min3A_183 {strides = array<i32>} : memref<1024x4xf32, #tpu.memory_space<vmem>>, vector<1024x1xf32>,
    %slice3A_279 = vector.extract_strided_slice %dot_general3A_106 {offsets = [8, 0], sizes = [1, 1024], strides = [1, 1]} : vector<16x1024xf32> to vector<1x1024xf32>
    %mul3A_280 = arith.constant 8.010000e+02 : f32
    %mul3A_281 = vector.broadcast %mul3A_280 : f32 to vector<1x1024xf32>
    %mul3A_282 = arith.mulf %slice3A_279, %mul3A_281 : vector<1x1024xf32>
    %slice3A_283 = vector.extract_strided_slice %concatenate3A {offsets = [0, 8], sizes = [1024, 1], strides = [1, 1]} : vector<1024x16xf32> to vector<1024x1xf32>
    %mul3A_284 = arith.constant 8.010000e+02 : f32
    %mul3A_285 = vector.broadcast %mul3A_284 : f32 to vector<1024x1xf32>
    %mul3A_286 = arith.mulf %slice3A_283, %mul3A_285 : vector<1024x1xf32>
    %add3A_287 = arith.addf %min3A_237, %mul3A_282 : vector<1x1024xf32>
    %add3A_288 = arith.addf %min3A_257, %mul3A_282 : vector<1x1024xf32>
    %add3A_289 = arith.addf %min3A_247, %mul3A_282 : vector<1x1024xf32>
    %add3A_290 = arith.addf %min3A_267, %mul3A_282 : vector<1x1024xf32>
    %add3A_291 = arith.addf %min3A_153, %mul3A_286 : vector<1024x1xf32>
    %add3A_292 = arith.addf %min3A_173, %mul3A_286 : vector<1024x1xf32>
    %add3A_293 = arith.addf %min3A_163, %mul3A_286 : vector<1024x1xf32>
    %add3A_294 = arith.addf %min3A_183, %mul3A_286 : vector<1024x1xf32>
    %sub3A_295 = arith.subf %add3A_289, %add3A_287 : vector<1x1024xf32>
    %sub3A_296 = arith.subf %add3A_290, %add3A_288 : vector<1x1024xf32>
    %mul3A_297 = arith.mulf %sub3A_295, %sub3A_296 : vector<1x1024xf32>
    %sub3A_298 = arith.subf %add3A_293, %add3A_291 : vector<1024x1xf32>
    %sub3A_299 = arith.subf %add3A_294, %add3A_292 : vector<1024x1xf32>
    %mul3A_300 = arith.mulf %sub3A_298, %sub3A_299 : vector<1024x1xf32>
    %max3A_301 = vector.broadcast %add3A_291 : vector<1024x1xf32> to vector<1024x1024xf32>
    %max3A_302 = vector.broadcast %add3A_287 : vector<1x1024xf32> to vector<1024x1024xf32>
    %max3A_303 = arith.maximumf %max3A_301, %max3A_302 : vector<1024x1024xf32>
    %max3A_304 = vector.broadcast %add3A_292 : vector<1024x1xf32> to vector<1024x1024xf32>
    %max3A_305 = vector.broadcast %add3A_288 : vector<1x1024xf32> to vector<1024x1024xf32>
    %max3A_306 = arith.maximumf %max3A_304, %max3A_305 : vector<1024x1024xf32>
    %min3A_307 = vector.broadcast %add3A_293 : vector<1024x1xf32> to vector<1024x1024xf32>
    %min3A_308 = vector.broadcast %add3A_289 : vector<1x1024xf32> to vector<1024x1024xf32>
    %min3A_309 = arith.minimumf %min3A_307, %min3A_308 : vector<1024x1024xf32>
    %min3A_310 = vector.broadcast %add3A_294 : vector<1024x1xf32> to vector<1024x1024xf32>
    %min3A_311 = vector.broadcast %add3A_290 : vector<1x1024xf32> to vector<1024x1024xf32>
    %min3A_312 = arith.minimumf %min3A_310, %min3A_311 : vector<1024x1024xf32>
    %sub3A_313 = arith.subf %min3A_309, %max3A_303 : vector<1024x1024xf32>
    %jit3A_314 = arith.constant 0.000000e+00 : f32
    %max3A_315 = vector.broadcast %jit3A_314 : f32 to vector<1024x1024xf32>
    %max3A_316 = arith.maximumf %max3A_315, %sub3A_313 : vector<1024x1024xf32>
    %sub3A_317 = arith.subf %min3A_312, %max3A_306 : vector<1024x1024xf32>
    %jit3A_318 = arith.constant 0.000000e+00 : f32
    %max3A_319 = vector.broadcast %jit3A_318 : f32 to vector<1024x1024xf32>
    %max3A_320 = arith.maximumf %max3A_319, %sub3A_317 : vector<1024x1024xf32>
    %mul3A_321 = arith.mulf %max3A_316, %max3A_320 : vector<1024x1024xf32>
    %add3A_322 = vector.broadcast %mul3A_300 : vector<1024x1xf32> to vector<1024x1024xf32>
    %add3A_323 = vector.broadcast %mul3A_297 : vector<1x1024xf32> to vector<1024x1024xf32>
    %add3A_324 = arith.addf %add3A_322, %add3A_323 : vector<1024x1024xf32>
    %sub3A_325 = arith.subf %add3A_324, %mul3A_321 : vector<1024x1024xf32>
    %max3A_326 = arith.constant 9.99999971E-10 : f32
    %max3A_327 = vector.broadcast %max3A_326 : f32 to vector<1024x1024xf32>
    %max3A_328 = arith.maximumf %sub3A_325, %max3A_327 : vector<1024x1024xf32>
    %div3A_329 = arith.divf %mul3A_321, %max3A_328 : vector<1024x1024xf32>
    %iota3A_330 = tpu.iota {dimensions = array<i32: 0>} : vector<1024x1024xi32>
    %iota3A_331 = tpu.iota {dimensions = array<i32: 1>} : vector<1024x1024xi32>
    %gt3A = arith.constant 5.000000e-01 : f32
    %gt3A_332 = vector.broadcast %gt3A : f32 to vector<1024x1024xf32>
    %gt3A_333 = arith.cmpf ogt, %div3A_329, %gt3A_332 : vector<1024x1024xf32>
    %gt3A_334 = arith.cmpi sgt, %iota3A_331, %iota3A_330 : vector<1024x1024xi32>
    %and3A = arith.andi %gt3A_333, %gt3A_334 : vector<1024x1024xi1>
    %jit3A_335 = arith.constant 1.000000e+00 : f32
    %jit3A_336 = arith.constant 0.000000e+00 : f32
    %broadcast_in_dim3A_337 = vector.broadcast %jit3A_335 : f32 to vector<1024x1024xf32>
    %broadcast_in_dim3A_338 = vector.broadcast %jit3A_336 : f32 to vector<1024x1024xf32>
    %select_n3A_339 = arith.select %and3A, %broadcast_in_dim3A_337, %broadcast_in_dim3A_338 : vector<1024x1024xi1>, vector<1024x1024xf32>
    %swap3A_340 = arith.constant 0 : index
    %swap3A_341 = arith.constant 0 : index
    %swap3A_342 = vector.load %arg8[%swap3A_340, %swap3A_341] : memref<1024x1024xf32, #tpu.memory_space<vmem>>, vector<1024x1024xf32>
    tpu.vector_store %arg8[%swap3A_340, %swap3A_341], %select_n3A_339 {strides = array<i32>} : memref<1024x1024xf32, #tpu.memory_space<vmem>>, vector<1024x1024xf32>,
    %get3A_343 = arith.constant 0 : index
    %get3A_344 = arith.constant 0 : index
    %get3A_345 = vector.load %arg5[%get3A_343, %get3A_344] : memref<1x1024xf32, #tpu.memory_space<vmem>>, vector<1x1024xf32>
    %gt3A_346 = arith.constant 0.000000e+00 : f32
    %gt3A_347 = vector.broadcast %gt3A_346 : f32 to vector<1x1024xf32>
    %gt3A_348 = arith.cmpf ogt, %get3A_345, %gt3A_347 : vector<1x1024xf32>
    %jit3A_349 = arith.constant 1.000000e+00 : f32
    %jit3A_350 = arith.constant 0.000000e+00 : f32
    %broadcast_in_dim3A_351 = vector.broadcast %jit3A_349 : f32 to vector<1x1024xf32>
    %broadcast_in_dim3A_352 = vector.broadcast %jit3A_350 : f32 to vector<1x1024xf32>
    %select_n3A_353 = arith.select %gt3A_348, %broadcast_in_dim3A_351, %broadcast_in_dim3A_352 : vector<1x1024xi1>, vector<1x1024xf32>
    %while3A = arith.constant true
    %while3A_354:2 = scf.while (%while3A_364 = %select_n3A_353, %while3A_365 = %while3A) : (vector<1x1024xf32>, i1) -> (vector<1x1024xf32>, i1) {
      scf.condition(%while3A_365) %while3A_364, %while3A_365 : vector<1x1024xf32>, i1
    } do {
    ^bb0(%while3A_364: vector<1x1024xf32>, %while3A_365: i1):
      %get3A_366 = arith.constant 0 : index
      %get3A_367 = arith.constant 0 : index
      %get3A_368 = vector.load %arg8[%get3A_366, %get3A_367] : memref<1024x1024xf32, #tpu.memory_space<vmem>>, vector<1024x1024xf32>
      %dot_general3A_369 = arith.constant dense<0.000000e+00> : vector<1x1024xf32>
      %dot_general3A_370 = tpu.matmul %while3A_364, %get3A_368, %dot_general3A_369 {dimension_numbers = #tpu.dot_dimension_numbers<[1], [0], [0], [1], [0, 0, 1, 1], [], []>, transpose_lhs_hint = false} : vector<1x1024xf32>, vector<1024x1024xf32>, vector<1x1024xf32> -> vector<1x1024xf32>
      %gt3A_371 = arith.constant 0.000000e+00 : f32
      %gt3A_372 = vector.broadcast %gt3A_371 : f32 to vector<1x1024xf32>
      %gt3A_373 = arith.cmpf ogt, %dot_general3A_370, %gt3A_372 : vector<1x1024xf32>
      %jit3A_374 = arith.constant 0.000000e+00 : f32
      %broadcast_in_dim3A_375 = vector.broadcast %jit3A_374 : f32 to vector<1x1024xf32>
      %select_n3A_376 = arith.select %gt3A_373, %broadcast_in_dim3A_375, %select_n3A_353 : vector<1x1024xi1>, vector<1x1024xf32>
      %ne3A = arith.cmpf one, %select_n3A_376, %while3A_364 : vector<1x1024xf32>
      %reduce_or3A = arith.constant 1.000000e+00 : f32
      %reduce_or3A_377 = arith.constant 0.000000e+00 : f32
      %reduce_or3A_378 = vector.broadcast %reduce_or3A : f32 to vector<1x1024xf32>
      %reduce_or3A_379 = vector.broadcast %reduce_or3A_377 : f32 to vector<1x1024xf32>
      %reduce_or3A_380 = arith.select %ne3A, %reduce_or3A_378, %reduce_or3A_379 : vector<1x1024xi1>, vector<1x1024xf32>
      %reduce_or3A_381 = vector.shape_cast %reduce_or3A_380 : vector<1x1024xf32> to vector<1x1x1024xf32>
      %reduce_or3A_382 = arith.constant dense<0xFF800000> : vector<1xf32>
      %reduce_or3A_383 = vector.multi_reduction <maximumf>, %reduce_or3A_381, %reduce_or3A_382 [1, 2] : vector<1x1x1024xf32> to vector<1xf32>
      %reduce_or3A_384 = vector.shape_cast %reduce_or3A_383 : vector<1xf32> to vector<1x1x1xf32>
      %reduce_or3A_385 = vector.extract %reduce_or3A_384[0, 0, 0] : f32 from vector<1x1x1xf32>
      %reduce_or3A_386 = arith.constant 0.000000e+00 : f32
      %reduce_or3A_387 = arith.cmpf ogt, %reduce_or3A_385, %reduce_or3A_386 : f32
      scf.yield %select_n3A_376, %reduce_or3A_387 : vector<1x1024xf32>, i1
    }
    %gt3A_355 = arith.constant 0.000000e+00 : f32
    %gt3A_356 = vector.broadcast %gt3A_355 : f32 to vector<1x1024xf32>
    %gt3A_357 = arith.cmpf ogt, %while3A_354#0, %gt3A_356 : vector<1x1024xf32>
    %jit3A_358 = arith.constant -1.000000e+00 : f32
    %broadcast_in_dim3A_359 = vector.broadcast %jit3A_358 : f32 to vector<1x1024xf32>
    %select_n3A_360 = arith.select %gt3A_357, %get3A_345, %broadcast_in_dim3A_359 : vector<1x1024xi1>, vector<1x1024xf32>
    %swap3A_361 = arith.constant 0 : index
    %swap3A_362 = arith.constant 0 : index
    %swap3A_363 = vector.load %arg6[%swap3A_361, %swap3A_362] : memref<1x1024xf32, #tpu.memory_space<vmem>>, vector<1x1024xf32>
    tpu.vector_store %arg6[%swap3A_361, %swap3A_362], %select_n3A_360 {strides = array<i32>} : memref<1x1024xf32, #tpu.memory_space<vmem>>, vector<1x1024xf32>,
    return
  }
}

</mosaic_0001>

<sc_bundles>
// kernel: kernel.5.cloned.1.call-start
scs
__scs_entry_jumppad:
0x0: {  	(pc) =	sbr.rel $0x88, $3  }
0x1: {  	(tag) =	ssettag $0x0;
	lr =	simm.s32 $0x1  }
0x2: {  	[smem:$0x3F9E] =	sst lr;
	_ =	strace $0xD0000000  }
0x3: {  	_ = 	snop  }
0x4: {  	_ = 	snop  }
0x5: {  	_ = 	snop  }
0x6: {  	_ = 	snop  }
0x7: {  	_ = 	snop  }
__scs_overlays_trampoline_lowered:
0x8: {  	[smem:$0x3FAD] =	sst s0  }
0x9: {  	[smem:$0x3FAE] =	sst s1  }
0xa: {  	[smem:$0x3FAF] =	sst s2  }
0xb: {  	[smem:$0x3FB0] =	sst s3  }
0xc: {  	[smem:$0x3FB1] =	sst s4  }
0xd: {  	[smem:$0x3FB2] =	sst s5  }
0xe: {  	[smem:$0x3FB3] =	sst s6  }
0xf: {  	[smem:$0x3FB4] =	sst s7  }
0x10: {  	[smem:$0x3FB5] =	sst s8  }
0x11: {  	[smem:$0x3FB6] =	sst s9;
	s0 =	simm.s32 @!p0 $0x0  }
0x12: {  	s1 =	sld [smem:$0x3F9C];
	s0 =	simm.s32 @p0 $0x1  }
0x13: {  	[smem:$0x3FB7] =	sst s0;
	s0 =	simm.s32 @!p1 $0x0  }
0x14: {  	s2 =	sld [smem:$0x3F9B];
	s0 =	simm.s32 @p1 $0x1  }
0x15: {  	[smem:$0x3FB8] =	sst s0;
	s0 =	simm.s32 @!p2 $0x0  }
0x16: {  	s3 =	sld [smem:$0x3FDB];
	s0 =	simm.s32 @p2 $0x1  }
0x17: {  	s4 =	simm.s32 $0x1BF5;
	[smem:$0x3FBA] =	sst s0  }
0x18: {  	s0 =	sld [smem:$0x3F9D];
	_ =	swait.ge [sflag:s4], $0x0  }
0x19: {  	s7 =	sld [smem:$0x3F9E]  }
0x1a: {  	s8 =	sadd.s32 $0xFFFFE003, lr  }
0x1b: {  	s9 =	sadd.s32 $0xFFFFFEF7, lr;
	s5 =	simm.s32 $0xFFFFFFFF;
	p2 =	slt.u32 s8, $0xFFFFF086  }
0x1c: {  	p1 =	slt.u32 s9, $0xF7A;
	s5 =	simm.s32 @!p2 $0x0  }
0x1d: {  	s5 =	simm.s32 @p1 $0x1;
	p0 =	seq.s32 s7, s2  }
0x1e: {  	s7 =	smul.u32 @!p0 $0xF7A, s2;
	p2 =	seq.s32 @!p0 s5, $0x0  }
0x1f: {  	s9 =	smul.u32 $0xF7A, s1;
	s8 =	simm.s32 @!p0 $0x1BF5;
	p2 =	por !p2, p0  }
0x20: {  	[sflag:s8] =	ssyncset.s32 @!p0 $0xFFFFF086;
	s6 =	sadd.s32 @!p0 s3, s7;
	s7 =	simm.s32 @!p0 $0x108  }
0x21: {  	s3 =	sadd.s32 s3, s9;
	s6 =	sadd.s32 @!p0 $0x88, s6;
	s7 =	simm.s32 @p2 $0x1082  }
0x22: {  	[simem:s7], [sflag:s8] =	dma.local @!p0 [hbm:s6], $0xF7A  }
0x23: {  	s9 =	sor.u32 $0xD0000000, s2;
	s6 =	simm.s32 $0x108;
	_ =	swait.ge @!p0 [sflag:s8], $0x0  }
0x24: {  	s3 =	sadd.s32 $0x88, s3;
	s6 =	simm.s32 @!p1 $0x1082;
	[sflag:s4] =	ssyncset.s32 $0xFFFFF086  }
0x25: {  	[simem:s6], [sflag:s4] =	dma.local [hbm:s3], $0xF7A  }
0x26: {  	[smem:$0x3F9E] =	sst s1;
	(tag) =	ssettag s2;
	_ =	strace s9  }
0x27: {  	s1 =	sld [smem:$0x3FAE]  }
0x28: {  	s2 =	sld [smem:$0x3FAF]  }
0x29: {  	s4 =	sld [smem:$0x3FB1]  }
0x2a: {  	p0 =	seq.s32 s5, $0x0;
	s5 =	sld [smem:$0x3FB2]  }
0x2b: {  	s6 =	sld [smem:$0x3FB3]  }
0x2c: {  	s7 =	sld [smem:$0x3FB4]  }
0x2d: {  	s3 =	simm.s32 $0x108;
	s8 =	sld [smem:$0x3FB5]  }
0x2e: {  	s3 =	simm.s32 @!p0 $0x1082;
	s9 =	sld [smem:$0x3FB6]  }
0x2f: {  	lr =	sadd.s32 s0, s3;
	s0 =	sld [smem:$0x3FAD]  }
0x30: {  	s3 =	sld [smem:$0x3FB0]  }
0x31: {  	[smem:$0x3FB9] =	sst s10  }
0x32: {  	s10 =	sld [smem:$0x3FB7];
	_ =	sdelay $0x3  }
0x33: {  	p0 =	seq.s32 s10, $0x1;
	s10 =	sld [smem:$0x3FB9];
	_ =	sdelay $0x3  }
0x34: {  	[smem:$0x3FB9] =	sst s10  }
0x35: {  	s10 =	sld [smem:$0x3FB8];
	_ =	sdelay $0x3  }
0x36: {  	p1 =	seq.s32 s10, $0x1;
	s10 =	sld [smem:$0x3FB9];
	_ =	sdelay $0x3  }
0x37: {  	[smem:$0x3FB9] =	sst s10  }
0x38: {  	s10 =	sld [smem:$0x3FBA]  }
0x39: {  	_ = 	snop;
	(pc) =	sbr.ind lr, $3  }
0x3a: {  	_ = 	snop  }
0x3b: {  	_ = 	snop  }
0x3c: {  	p2 =	seq.s32 s10, $0x1;
	s10 =	sld [smem:$0x3FB9]  }
0x3d: {  	_ =	shalt  }
0x3e: {  	_ =	shalt  }
0x3f: {  	_ =	shalt  }
0x40: {  	_ =	shalt  }
0x41: {  	_ =	shalt  }
0x42: {  	_ =	shalt  }
0x43: {  	_ =	shalt  }
0x44: {  	_ =	shalt  }
0x45: {  	_ =	shalt  }
0x46: {  	_ =	shalt  }
0x47: {  	_ =	shalt  }
0x48: {  	_ =	shalt  }
0x49: {  	_ =	shalt  }
0x4a: {  	_ =	shalt  }
0x4b: {  	_ =	shalt  }
0x4c: {  	_ =	shalt  }
0x4d: {  	_ =	shalt  }
0x4e: {  	_ =	shalt  }
0x4f: {  	_ =	shalt  }
0x50: {  	_ =	shalt  }
0x51: {  	_ =	shalt  }
0x52: {  	_ =	shalt  }
0x53: {  	_ =	shalt  }
0x54: {  	_ =	shalt  }
0x55: {  	_ =	shalt  }
0x56: {  	_ =	shalt  }
0x57: {  	_ =	shalt  }
0x58: {  	_ =	shalt  }
0x59: {  	_ =	shalt  }
0x5a: {  	_ =	shalt  }
0x5b: {  	_ =	shalt  }
0x5c: {  	_ =	shalt  }
0x5d: {  	_ =	shalt  }
0x5e: {  	_ =	shalt  }
0x5f: {  	_ =	shalt  }
0x60: {  	_ =	shalt  }
0x61: {  	_ =	shalt  }
0x62: {  	_ =	shalt  }
0x63: {  	_ =	shalt  }
0x64: {  	_ =	shalt  }
0x65: {  	_ =	shalt  }
0x66: {  	_ =	shalt  }
0x67: {  	_ =	shalt  }
0x68: {  	_ =	shalt  }
0x69: {  	_ =	shalt  }
0x6a: {  	_ =	shalt  }
0x6b: {  	_ =	shalt  }
0x6c: {  	_ =	shalt  }
0x6d: {  	_ =	shalt  }
0x6e: {  	_ =	shalt  }
0x6f: {  	_ =	shalt  }
0x70: {  	_ =	shalt  }
0x71: {  	_ =	shalt  }
0x72: {  	_ =	shalt  }
0x73: {  	_ =	shalt  }
0x74: {  	_ =	shalt  }
0x75: {  	_ =	shalt  }
0x76: {  	_ =	shalt  }
0x77: {  	_ =	shalt  }
0x78: {  	_ =	shalt  }
0x79: {  	_ =	shalt  }
0x7a: {  	_ =	shalt  }
0x7b: {  	_ =	shalt  }
0x7c: {  	_ =	shalt  }
0x7d: {  	_ =	shalt  }
0x7e: {  	_ =	shalt  }
0x7f: {  	_ =	shalt  }
0x80: {  	_ =	shalt  }
0x81: {  	_ =	shalt  }
0x82: {  	_ =	shalt  }
0x83: {  	_ =	shalt  }
0x84: {  	_ =	shalt  }
0x85: {  	_ =	shalt  }
0x86: {  	_ =	shalt  }
0x87: {  	_ =	shalt  }
.Lfunc_end0:
.L_simem_size_0:
called_computation_lowered:
.L_overlay_start_0:
0x88: {  	s2 =	sld [smem:$0x3FD9]  }
0x89: {  	s3 =	sld [smem:$0x3FFE];
	_ =	sdelay $0x1  }
0x8a: {  	s1 =	srdreg.scid  }
0x8b: {  	s0 =	sand.u32 $0x1, s1  }
0x8c: {  	s16 =	sshll.u32 s0, $0xA;
	s2 =	sadd.s32 s3, s2  }
0x8d: {  	s2 =	sadd.s32 s2, s16  }
0x8e: {  	[smem:$0x3FC5] =	sst s2  }
0x8f: {  	_ = 	snop  }
0x90: {  	(tm) =	ssettm $0x1  }
0x91: {  	s17 =	sld [smem:$0x3FFB];
	_ =	sdelay $0x3  }
0x92: {  	_ =	strace s17  }
0x93: {  	s2 =	sld [smem:$0x3FFC];
	_ =	sdelay $0x3  }
0x94: {  	_ =	strace s2  }
0x95: {  	s2 =	sld [smem:$0x3FFD];
	_ =	sdelay $0x3  }
0x96: {  	_ =	strace s2  }
0x97: {  	_ =	strace $0x8FFFFFFF  }
0x98: {  	s18 =	sld [smem:$0x3FDB];
	_ =	sdelay $0x1  }
0x99: {  	s19 =	simm.s32 $_scs_section_size  }
0x9a: {  	s4 =	simm.s32 $_size__tile_overlayer_lowered;
	s5 =	simm.s32 $_tile_overlayer_lowered  }
0x9b: {  	s22 =	simm.s32 $0x1BFF;
	s21 =	sshll.u32 s5, $0x1;
	s2 =	sadd.s32 s19, s18  }
0x9c: {  	s6 =	simm.s32 $0x0;
	s20 =	sshll.u32 s4, $0x1;
	s4 =	sadd.s32 s21, s2  }
0x9d: {  	[timem:s6], [sflag:s22] =	dma.local [hbm:s4], s20  }
0x9e: {  	_ =	swait.ge [sflag:s22], s20  }
0x9f: {  	s3 =	ssub.s32 $0x0, s20;
	[sflag:s22] =	ssyncset.done $0x0  }
0xa0: {  	[sflag:s22] =	ssyncadd.s32 s3;
	_ =	sdelay $0x1  }
0xa1: {  	s23 =	simm.s32 $0x1B8B  }
0xa2: {  	_ =	swait.ge [sflag:s23], $0x1  }
0xa3: {  	[sflag:s23] =	ssyncset.done $0x0  }
0xa4: {  	s25 =	simm.s32 $0x1B8E;
	s24 =	sld [smem:$0x3FFE];
	[sflag:s23] =	ssyncadd.s32 $0xFFFFFFFF  }
0xa5: {  	s26 =	simm.s32 $execute0_lowered;
	[smem:$0x3FD2] =	sst s25  }
0xa6: {  	s4 =	sshll.u32 s26, $0x1;
	_ =	strace $0x80000046;
	[dreg:$0x1] =	wrdreg $0xFFFFFFFF  }
0xa7: {  	s28 =	simm.s32 $_size_execute0_lowered;
	s2 =	sadd.s32 s2, s4;
	[dreg:$0x0] =	wrdreg $0x0  }
0xa8: {  	s4 =	sshll.u32 s28, $0x1;
	[dreg:$0x2] =	wrdreg s2  }
0xa9: {  	[dreg:$0x3] =	wrdreg s4  }
0xaa: {  	[dreg:$0x4] =	wrdreg $0xC0  }
0xab: {  	_ =	task [dreg:s6], $0x5FFFF  }
0xac: {  	[dreg:$0x1] =	wrdreg $0xFFFFFFFF  }
0xad: {  	[dreg:$0x0] =	wrdreg $0x60  }
0xae: {  	[dreg:$0x2] =	wrdreg s24  }
0xaf: {  	[dreg:$0x3] =	wrdreg $0x9  }
0xb0: {  	_ =	task.clear_ibuf [dreg:s6], $0x4FFFF;
	_ =	strace $0x90000046  }
0xb1: {  	s29 =	simm.s32 $0x9;
	_ =	strace $0x80000048  }
0xb2: {  	_ =	swait.ge [sflag:s29], $0x1  }
0xb3: {  	[sflag:s29] =	ssyncadd.s32 $0xFFFFFFFF  }
0xb4: {  	_ =	strace $0x90000048  }
0xb5: {  	_ =	sfence  }
0xb6: {  	s30 =	sld [smem:$0x0];
	_ =	sdelay $0x2  }
0xb7: {  	s31 =	sshll.u32 s1, $0xD;
	s1 =	sshrl.u32 s1, $0x2  }
0xb8: {  	s3 =	sand.u32 $0x4000, s31;
	s1 =	sadd.s32 s1, s30  }
0xb9: {  	s0 =	sor.u32 s3, s0;
	s1 =	sshll.u32 s1, $0x11  }
0xba: {  	s0 =	sor.u32 s1, s0  }
0xbb: {  	s0 =	sadd.s32 $0x8F2B, s0  }
0xbc: {  	[sflag:s0] =	ssyncadd.remote.s32 $0x1  }
0xbd: {  	_ =	sfence.sel $0xFFFF  }
0xbe: {  	[dreg:$0x0] =	wrdreg $0xFFFFFFFF;
	(pc) =	sbr.abs _section_cstart, $3  }
0xbf: {  	[dreg:$0x1] =	wrdreg $0xFFFFFFFF  }
0xc0: {  	_ =	task.clear_ibuf [dreg:s6], $0x2FFFF;
	_ =	strace $0x9FFFFFFF  }
0xc1: {  	(tm) =	ssettm $0x7FFFFFFF  }
tec
execute0_lowered:
.L_overlay_start_1:
0x0: {  	(tag) =	ssettag $0x1  }
0x1: {  	s1 =	srdreg.scid  }
0x2: {  	s0 =	stileid.u32;
	s14 =	sand.u32 $0x1, s1  }
0x3: {  	s30 =	sshll.u32 s0, $0x6;
	s2 =	sshll.u32 s14, $0x5  }
0x4: {  	s15 =	rddreg [dreg:$0x0];
	s16 =	sor.u32 s2, s30  }
0x5: {  	s1 =	rddreg [dreg:$0x1];
	s2 =	simm.s32 $0x0;
	s3 =	sshrl.u32 s16, $0x3  }
0x6: {  	[smem:$0x7FF] =	sst s2;
	s5 =	sadd.s32 s3, s15  }
0x7: {  	_ =	strace $0x80000047;
	s3 =	simm.s32 $0x3;
	s4 =	sadd.s32 $0x216C00, s5  }
0x8: {  	[tilespmem:s2], [sflag:$0x3] =	stream.linear.gather [hbm4b:s4+s2], $0x20, $0x38;
	[tilespmem:$0x2100] =	vst v63  }
0x9: {  	_ =	swait.ge [sflag:s3], $0x20  }
0xa: {  	[sflag:s3] =	ssyncset.done $0x0  }
0xb: {  	s6 =	simm.s32 $0x80;
	s5 =	sadd.s32 $0x216E00, s5;
	[sflag:s3] =	ssyncadd.s32 $0xFFFFFFE0  }
0xc: {  	[tilespmem:s6], [sflag:$0x3] =	stream.linear.gather [hbm4b:s5+s2], $0x20, $0x38;
	[tilespmem:$0x2100] =	vst v63  }
0xd: {  	_ =	swait.ge [sflag:s3], $0x20  }
0xe: {  	s8 =	simm.s32 $0x20;
	[sflag:s3] =	ssyncset.done $0x0  }
0xf: {  	s9 =	simm.s32 $0x100;
	s7 =	sadd.s32 $0x138800, s15;
	[sflag:s3] =	ssyncadd.s32 $0xFFFFFFE0  }
0x10: {  	[tilespmem:s9], [sflag:$0x1] =	stream.indirect.gather [hbm4b:s7+s8], $0x80, s2, s8, $0xb8;
	[tilespmem:$0x2100] =	vst v63  }
0x11: {  	s11 =	simm.s32 $0x1100;
	s12 =	simm.s32 $0x1;
	s10 =	sadd.s32 $0x2B3000, s15  }
0x12: {  	[tilespmem:s11], [sflag:$0x2] =	stream.indirect.gather [hbm4b:s10+s8], $0x80, s6, s8, $0xb8;
	[tilespmem:$0x2100] =	vst v63  }
0x13: {  	_ =	swait.ge [sflag:s12], $0x1000  }
0x14: {  	[sflag:s12] =	ssyncset.done $0x0  }
0x15: {  	s13 =	simm.s32 $0x2;
	s31 =	ssub.s32 $0x2, s14;
	[sflag:s12] =	ssyncadd.s32 $0xFFFFF000  }
0x16: {  	s17 =	sshrl.u32 s31, $0x1;
	s16 =	sshll.u32 s16, $0x4;
	_ =	swait.ge [sflag:s13], $0x1000  }
0x17: {  	s15 =	sadd.s32 s16, s15;
	s16 =	ssub.s32 s31, s17;
	[sflag:s13] =	ssyncset.done $0x0  }
0x18: {  	s14 =	sadd.s32 $0x217000, s15;
	s16 =	smax.u32 s16, $0x1;
	[sflag:s13] =	ssyncadd.s32 $0xFFFFF000  }
0x19: {  	[hbm4b:s14+s2] =	stream.linear.scatter [tilespmem:s9], [sflag:$0x3], $0x1000, $0x38;
	[tilespmem:$0x2100] =	vst v63  }
0x1a: {  	p0 =	sne.s32 s16, $0x1;
	_ =	swait.ge [sflag:s3], $0x1000  }
.Ltmp0:
0x1b: {  	[sflag:s3] =	ssyncset.done $0x0;
	(pc) =	sbr.rel @!p0 .LBB2_2-.Ltmp0, $4  }
0x1c: {  	s15 =	sadd.s32 $0x21B000, s15;
	[sflag:s3] =	ssyncadd.s32 $0xFFFFF000  }
0x1d: {  	[hbm4b:s15+s2] =	stream.linear.scatter [tilespmem:s11], [sflag:$0x3], $0x1000, $0x38;
	[tilespmem:$0x2100] =	vst v63  }
0x1e: {  	_ =	swait.ge [sflag:s3], $0x1000  }
0x1f: {  	s16 =	sadd.s32 $0xFFFFFFFF, s16;
	[sflag:s3] =	ssyncset.done $0x0  }
.LBB2_1:
0x20: {  	p0 =	sne.s32 s16, $0x1;
	s16 =	sadd.s32 $0xFFFFFFFF, s16;
	[sflag:s3] =	ssyncadd.s32 $0xFFFFF000  }
0x21: {  	[tilespmem:s2], [sflag:$0x3] =	stream.linear.gather [hbm4b:s4+s2], $0x20, $0x38;
	[tilespmem:$0x2100] =	vst v63  }
0x22: {  	_ =	swait.ge [sflag:s3], $0x20  }
0x23: {  	[sflag:s3] =	ssyncset.done $0x0  }
0x24: {  	[sflag:s3] =	ssyncadd.s32 $0xFFFFFFE0  }
0x25: {  	[tilespmem:s6], [sflag:$0x3] =	stream.linear.gather [hbm4b:s5+s2], $0x20, $0x38;
	[tilespmem:$0x2100] =	vst v63  }
0x26: {  	_ =	swait.ge [sflag:s3], $0x20  }
0x27: {  	[sflag:s3] =	ssyncset.done $0x0  }
0x28: {  	[sflag:s3] =	ssyncadd.s32 $0xFFFFFFE0  }
0x29: {  	[tilespmem:s9], [sflag:$0x1] =	stream.indirect.gather [hbm4b:s7+s8], $0x80, s2, s8, $0xb8;
	[tilespmem:$0x2100] =	vst v63  }
0x2a: {  	_ = 	snop  }
0x2b: {  	[tilespmem:s11], [sflag:$0x2] =	stream.indirect.gather [hbm4b:s10+s8], $0x80, s6, s8, $0xb8;
	[tilespmem:$0x2100] =	vst v63  }
0x2c: {  	_ =	swait.ge [sflag:s12], $0x1000  }
0x2d: {  	[sflag:s12] =	ssyncset.done $0x0  }
0x2e: {  	[sflag:s12] =	ssyncadd.s32 $0xFFFFF000  }
0x2f: {  	_ =	swait.ge [sflag:s13], $0x1000  }
0x30: {  	[sflag:s13] =	ssyncset.done $0x0  }
0x31: {  	[sflag:s13] =	ssyncadd.s32 $0xFFFFF000  }
0x32: {  	[hbm4b:s14+s2] =	stream.linear.scatter [tilespmem:s9], [sflag:$0x3], $0x1000, $0x38;
	[tilespmem:$0x2100] =	vst v63  }
0x33: {  	_ =	swait.ge [sflag:s3], $0x1000  }
.Ltmp1:
0x34: {  	[sflag:s3] =	ssyncset.done $0x0;
	(pc) =	sbr.rel @p0 .LBB2_1-.Ltmp1, $4  }
0x35: {  	[sflag:s3] =	ssyncadd.s32 $0xFFFFF000  }
0x36: {  	[hbm4b:s15+s2] =	stream.linear.scatter [tilespmem:s11], [sflag:$0x3], $0x1000, $0x38;
	[tilespmem:$0x2100] =	vst v63  }
0x37: {  	_ =	swait.ge [sflag:s3], $0x1000  }
0x38: {  	[sflag:s3] =	ssyncset.done $0x0  }
.LBB2_2:
0x39: {  	[sflag:s3] =	ssyncadd.s32 $0xFFFFF000  }
0x3a: {  	_ =	sfence.sel $0x180000  }
0x3b: {  	[bflag:$0x0] =	sbarrier.arrive $0xFFFF  }
0x3c: {  	p0 =	sne.s32 s0, $0x0;
	_ =	strace $0x90000047  }
0x3d: {  	s0 =	sadd.s32 @!p0 $0x100000, s1;
	[bflag:$0x2] =	sbarrier.arrive $0xFFFF  }
0x3e: {  	[sflag:s0] =	ssyncadd.tile.s32 @!p0 $0x1;
	_ =	shalt  }
.Lfunc_end2:
_tile_overlayer_lowered:
.L_overlay_start_2:
0x3f: {  	(tag) =	ssettag $0x2  }
0x40: {  	s0 =	rddreg [dreg:$0x0];
	s2 =	stileid.u32  }
0x41: {  	s1 =	rddreg [dreg:$0x1];
	p0 =	sne.s32 s2, $0x0  }
0x42: {  	s3 =	rddreg [dreg:$0x2];
	[bflag:$0x3] =	sbarrier.arrive $0xFFFF;
	s2 =	simm.s32 @!p0 $0x1C03  }
0x43: {  	[timem:s3], [sflag:s2] =	dma.local @!p0 [hbm:s0], s1  }
0x44: {  	s0 =	simm.s32 @!p0 $0x3  }
0x45: {  	_ =	swait.ge @!p0 [sflag:s0], s1  }
0x46: {  	s1 =	ssub.s32 @!p0 $0x0, s1;
	[sflag:s0] =	ssyncset.done @!p0 $0x0  }
0x47: {  	[sflag:s0] =	ssyncadd.s32 @!p0 s1  }
0x48: {  	[bflag:$0x3] =	sbarrier.arrive $0xFFFF  }
0x49: {  	_ =	shalt  }

</sc_bundles>
